<compile_context>
chip_gen: v7x
topology: tpu7x:2x2x1
jax: 0.10.2.dev20260603
libtpu: 0.0.44.dev20260713+nightly
codegen_flags: <defaults>
</compile_context>

<pallas_src>
import functools

import jax
import jax.numpy as jnp
from jax import lax
from jax.experimental import pallas as pl
from jax.experimental.pallas import tpu as pltpu
from jax.experimental.pallas import tpu_sc as plsc

BB, CC, NN, MM, KK = 4, 64, 2048, 8192, 16
MT = 256
MT2 = 512
CNT1 = float(BB * MM * KK)
CNT3 = float(BB * MM)


def _k1_body(surf_ref, atom_ref, gidx_ref, dist_ref, sums_ref):
    b = pl.program_id(0)
    t = pl.program_id(1)
    s = surf_ref[0]
    a = atom_ref[0]
    s2 = (s[:, 0:1] * s[:, 0:1] + s[:, 1:2] * s[:, 1:2]) + s[:, 2:3] * s[:, 2:3]
    a2 = (a[0:1, :] * a[0:1, :] + a[1:2, :] * a[1:2, :]) + a[2:3, :] * a[2:3, :]
    e = jnp.dot(_bf(s), _bf(a), preferred_element_type=jnp.float32)
    d2 = (s2 + a2) - 2.0 * e
    iota_f = lax.broadcasted_iota(jnp.int32, (MT, NN), 1).astype(jnp.float32)
    inf = jnp.float32(float("inf"))
    bigf = jnp.float32(NN)
    idx_cols, dist_cols = [], []
    work = d2
    for _ in range(KK):
        mval = jnp.min(work, axis=1, keepdims=True)
        mi = jnp.where(work == mval, iota_f, bigf)
        amin = jnp.min(mi, axis=1, keepdims=True)
        work = jnp.where(mi == amin, inf, work)
        idx_cols.append(amin)
        dist_cols.append(jnp.sqrt(jnp.maximum(mval, 1e-12)))
    idxb = jnp.concatenate(idx_cols, axis=1).astype(jnp.int32)
    distb = jnp.concatenate(dist_cols, axis=1)
    gidx_ref[0] = idxb + b * NN
    dist_ref[0] = distb

    lane = lax.broadcasted_iota(jnp.int32, (1, 128), 1)
    db = distb.astype(jnp.bfloat16).astype(jnp.float32)
    sd = jnp.sum(db)
    sdd = jnp.sum(db * db)
    row = jnp.where(lane == 0, sd, 0.0) + jnp.where(lane == 1, sdd, 0.0)

    @pl.when((b == 0) & (t == 0))
    def _():
        sums_ref[...] = jnp.zeros_like(sums_ref)
    sums_ref[...] += row


def _k1_call(surf_xyz, atom_t):
    return pl.pallas_call(
        _k1_body,
        grid=(BB, MM // MT),
        in_specs=[
            pl.BlockSpec((1, MT, 3), lambda b, t: (b, t, 0)),
            pl.BlockSpec((1, 3, NN), lambda b, t: (b, 0, 0)),
        ],
        out_specs=[
            pl.BlockSpec((1, MT, KK), lambda b, t: (b, t, 0)),
            pl.BlockSpec((1, MT, KK), lambda b, t: (b, t, 0)),
            pl.BlockSpec((1, 128), lambda b, t: (0, 0)),
        ],
        out_shape=[
            jax.ShapeDtypeStruct((BB, MM, KK), jnp.int32),
            jax.ShapeDtypeStruct((BB, MM, KK), jnp.float32),
            jax.ShapeDtypeStruct((1, 128), jnp.float32),
        ],
    )(surf_xyz, atom_t)


_NW = 32
_PERW = BB * MM * KK // _NW
_CH = 256


def _sc_gather_call(table, gidx_flat):
    mesh = plsc.VectorSubcoreMesh(core_axis_name="c", subcore_axis_name="s")

    @functools.partial(
        pl.kernel,
        mesh=mesh,
        out_type=jax.ShapeDtypeStruct((BB * MM * KK, 128), jnp.float32),
        scratch_types=[
            pltpu.VMEM((_CH,), jnp.int32),
            pltpu.VMEM((_CH,), jnp.int32),
            pltpu.VMEM((_CH, 128), jnp.float32),
            pltpu.VMEM((_CH, 128), jnp.float32),
            pltpu.SemaphoreType.DMA,
            pltpu.SemaphoreType.DMA,
            pltpu.SemaphoreType.DMA,
            pltpu.SemaphoreType.DMA,
        ],
    )
    def k(table_hbm, gidx_hbm, neb_hbm, idx0, idx1, rows0, rows1,
          sg0, sg1, sw0, sw1):
        wid = lax.axis_index("s") * 2 + lax.axis_index("c")

        def pair_body(i, carry):
            b0 = wid * _PERW + (2 * i) * _CH
            b1 = b0 + _CH
            pltpu.sync_copy(gidx_hbm.at[pl.ds(b0, _CH)], idx0)
            g0 = pltpu.async_copy(table_hbm.at[idx0], rows0, sg0)
            pltpu.sync_copy(gidx_hbm.at[pl.ds(b1, _CH)], idx1)
            g1 = pltpu.async_copy(table_hbm.at[idx1], rows1, sg1)
            g0.wait()
            w0 = pltpu.async_copy(rows0, neb_hbm.at[pl.ds(b0, _CH)], sw0)
            g1.wait()
            w1 = pltpu.async_copy(rows1, neb_hbm.at[pl.ds(b1, _CH)], sw1)
            w0.wait()
            w1.wait()
            return carry
        lax.fori_loop(0, _PERW // (2 * _CH), pair_body, 0)

    return k(table, gidx_flat)


def _y1(neb_ref, dist_ref, w1ft_ref, w1d_ref, b1_ref):
    f2 = neb_ref[0][:, :, :CC].reshape(MT2 * KK, CC)
    dd = dist_ref[...]
    y1 = jnp.dot(_bf(f2), _bf(w1ft_ref[...]),
                 preferred_element_type=jnp.float32)
    ddb = _bf(dd).astype(jnp.float32)
    w1db = _bf(w1d_ref[...]).astype(jnp.float32)
    return y1 + ddb * w1db + b1_ref[...]


def _k3_body(neb_ref, dist_ref, w1ft_ref, w1d_ref, b1_ref, s1_ref, s2_ref):
    b = pl.program_id(0)
    t = pl.program_id(1)
    y1 = _y1(neb_ref, dist_ref, w1ft_ref, w1d_ref, b1_ref)

    @pl.when((b == 0) & (t == 0))
    def _():
        s1_ref[...] = jnp.zeros_like(s1_ref)
        s2_ref[...] = jnp.zeros_like(s2_ref)
    s1_ref[...] += jnp.sum(y1, axis=0, keepdims=True)
    s2_ref[...] += jnp.sum(y1 * y1, axis=0, keepdims=True)


def _k3_call(neb4, dist_col, w1ft, w1d, b1r):
    vec = pl.BlockSpec((1, CC), lambda b, t: (0, 0))
    return pl.pallas_call(
        _k3_body,
        grid=(BB, MM // MT2),
        in_specs=[
            pl.BlockSpec((1, MT2, KK, 128), lambda b, t: (b, t, 0, 0)),
            pl.BlockSpec((MT2 * KK, 1), lambda b, t: (b * (MM // MT2) + t, 0)),
            pl.BlockSpec((CC, CC), lambda b, t: (0, 0)),
            vec, vec,
        ],
        out_specs=[
            pl.BlockSpec((1, CC), lambda b, t: (0, 0)),
            pl.BlockSpec((1, CC), lambda b, t: (0, 0)),
        ],
        out_shape=[
            jax.ShapeDtypeStruct((1, CC), jnp.float32),
            jax.ShapeDtypeStruct((1, CC), jnp.float32),
        ],
    )(neb4, dist_col, w1ft, w1d, b1r)


def _mstats_body(s1_ref, s2_ref, gam_ref, bet_ref, scale_ref, shift_ref, *,
                 cnt):
    mean = s1_ref[...] / cnt
    var = s2_ref[...] / cnt - mean * mean
    scale = gam_ref[...] * lax.rsqrt(var + 1e-5)
    scale_ref[...] = scale
    shift_ref[...] = bet_ref[...] - scale * mean


def _mstats_call(s1, s2, gr, ber, cnt):
    return pl.pallas_call(
        functools.partial(_mstats_body, cnt=cnt),
        out_shape=[
            jax.ShapeDtypeStruct((1, CC), jnp.float32),
            jax.ShapeDtypeStruct((1, CC), jnp.float32),
        ],
    )(s1, s2, gr, ber)


def _lrelu(x):
    return jnp.where(x >= 0, x, 0.2 * x)


def _bf(x):
    return x.astype(jnp.bfloat16)


def _stage1(neb_ref, dist_ref, w1ft_ref, w1d_ref, b1_ref, sc1_ref, sh1_ref):
    f2 = neb_ref[0][:, :, :CC].reshape(MT2 * KK, CC)
    dd = dist_ref[...]
    y1 = jnp.dot(_bf(f2), _bf(w1ft_ref[...]),
                 preferred_element_type=jnp.float32)
    ddb = _bf(dd).astype(jnp.float32)
    w1db = _bf(w1d_ref[...]).astype(jnp.float32)
    y1 = y1 + ddb * w1db + b1_ref[...]
    x1 = _lrelu(y1 * sc1_ref[...] + sh1_ref[...])
    return x1


def _k4_body(neb_ref, dist_ref, sc1_ref, sh1_ref, w1ft_ref, w1d_ref, b1_ref,
             w2t_ref, b2_ref, s1_ref, s2_ref):
    b = pl.program_id(0)
    t = pl.program_id(1)
    x1_2 = _stage1(neb_ref, dist_ref, w1ft_ref, w1d_ref, b1_ref,
                   sc1_ref, sh1_ref)
    y2 = jnp.dot(_bf(x1_2), _bf(w2t_ref[...]),
                 preferred_element_type=jnp.float32) + b2_ref[...]

    @pl.when((b == 0) & (t == 0))
    def _():
        s1_ref[...] = jnp.zeros_like(s1_ref)
        s2_ref[...] = jnp.zeros_like(s2_ref)
    s1_ref[...] += jnp.sum(y2, axis=0, keepdims=True)
    s2_ref[...] += jnp.sum(y2 * y2, axis=0, keepdims=True)


def _k4_call(neb4, dist_col, scale1, shift1, w1ft, w1d, b1r, w2t, b2r):
    vec = pl.BlockSpec((1, CC), lambda b, t: (0, 0))
    return pl.pallas_call(
        _k4_body,
        grid=(BB, MM // MT2),
        in_specs=[
            pl.BlockSpec((1, MT2, KK, 128), lambda b, t: (b, t, 0, 0)),
            pl.BlockSpec((MT2 * KK, 1), lambda b, t: (b * (MM // MT2) + t, 0)),
            vec, vec,
            pl.BlockSpec((CC, CC), lambda b, t: (0, 0)),
            vec, vec,
            pl.BlockSpec((CC, CC), lambda b, t: (0, 0)),
            vec,
        ],
        out_specs=[
            pl.BlockSpec((1, CC), lambda b, t: (0, 0)),
            pl.BlockSpec((1, CC), lambda b, t: (0, 0)),
        ],
        out_shape=[
            jax.ShapeDtypeStruct((1, CC), jnp.float32),
            jax.ShapeDtypeStruct((1, CC), jnp.float32),
        ],
    )(neb4, dist_col, scale1, shift1, w1ft, w1d, b1r, w2t, b2r)


def _k5_body(neb_ref, dist_ref, sc1_ref, sh1_ref, sc2_ref, sh2_ref,
             w1ft_ref, w1d_ref, b1_ref, w2t_ref, b2_ref, w3t_ref, b3_ref,
             sc_ref, s1_ref, s2_ref):
    b = pl.program_id(0)
    t = pl.program_id(1)
    x1_2 = _stage1(neb_ref, dist_ref, w1ft_ref, w1d_ref, b1_ref,
                   sc1_ref, sh1_ref)
    y2 = jnp.dot(_bf(x1_2), _bf(w2t_ref[...]),
                 preferred_element_type=jnp.float32) + b2_ref[...]
    x2 = _lrelu(y2 * sc2_ref[...] + sh2_ref[...])
    s1 = jnp.sum(x1_2.reshape(MT2, KK, CC), axis=1)
    s2 = jnp.sum(x2.reshape(MT2, KK, CC), axis=1)
    sc = jnp.concatenate([s1, s2], axis=1)
    sc_ref[0] = sc
    y3 = jnp.dot(_bf(sc), _bf(w3t_ref[...]),
                 preferred_element_type=jnp.float32) + b3_ref[...]

    @pl.when((b == 0) & (t == 0))
    def _():
        s1_ref[...] = jnp.zeros_like(s1_ref)
        s2_ref[...] = jnp.zeros_like(s2_ref)
    s1_ref[...] += jnp.sum(y3, axis=0, keepdims=True)
    s2_ref[...] += jnp.sum(y3 * y3, axis=0, keepdims=True)


def _k5_call(neb4, dist_col, scale1, shift1, scale2, shift2, w1ft, w1d, b1r,
             w2t, b2r, w3t, b3r):
    vec = pl.BlockSpec((1, CC), lambda b, t: (0, 0))
    return pl.pallas_call(
        _k5_body,
        grid=(BB, MM // MT2),
        in_specs=[
            pl.BlockSpec((1, MT2, KK, 128), lambda b, t: (b, t, 0, 0)),
            pl.BlockSpec((MT2 * KK, 1), lambda b, t: (b * (MM // MT2) + t, 0)),
            vec, vec, vec, vec,
            pl.BlockSpec((CC, CC), lambda b, t: (0, 0)),
            vec, vec,
            pl.BlockSpec((CC, CC), lambda b, t: (0, 0)),
            vec,
            pl.BlockSpec((2 * CC, CC), lambda b, t: (0, 0)),
            vec,
        ],
        out_specs=[
            pl.BlockSpec((1, MT2, 2 * CC), lambda b, t: (b, t, 0)),
            pl.BlockSpec((1, CC), lambda b, t: (0, 0)),
            pl.BlockSpec((1, CC), lambda b, t: (0, 0)),
        ],
        out_shape=[
            jax.ShapeDtypeStruct((BB, MM, 2 * CC), jnp.float32),
            jax.ShapeDtypeStruct((1, CC), jnp.float32),
            jax.ShapeDtypeStruct((1, CC), jnp.float32),
        ],
    )(neb4, dist_col, scale1, shift1, scale2, shift2, w1ft, w1d, b1r,
      w2t, b2r, w3t, b3r)


def _k6_body(sc_ref, w3t_ref, b3_ref, sc3_ref, sh3_ref, out_ref):
    sc = sc_ref[0]
    y3 = jnp.dot(_bf(sc), _bf(w3t_ref[...]),
                 preferred_element_type=jnp.float32) + b3_ref[...]
    o = _lrelu(y3 * sc3_ref[...] + sh3_ref[...])
    out_ref[0] = jnp.transpose(o)


def _k6_call(sc, w3t, b3r, scale3, shift3):
    return pl.pallas_call(
        _k6_body,
        grid=(BB, MM // MT2),
        in_specs=[
            pl.BlockSpec((1, MT2, 2 * CC), lambda b, t: (b, t, 0)),
            pl.BlockSpec((2 * CC, CC), lambda b, t: (0, 0)),
            pl.BlockSpec((1, CC), lambda b, t: (0, 0)),
            pl.BlockSpec((1, CC), lambda b, t: (0, 0)),
            pl.BlockSpec((1, CC), lambda b, t: (0, 0)),
        ],
        out_specs=pl.BlockSpec((1, CC, MT2), lambda b, t: (b, 0, t)),
        out_shape=jax.ShapeDtypeStruct((BB, CC, MM), jnp.float32),
    )(sc, w3t, b3r, scale3, shift3)


def kernel(atom_feats, atom_xyz, surf_xyz, W1, b1, g1, be1, W2, b2, g2, be2,
           W3, b3, g3, be3):
    atom_t = jnp.transpose(atom_xyz, (0, 2, 1))
    ftab = jnp.transpose(atom_feats, (0, 2, 1)).reshape(BB * NN, CC)
    w1ft = jnp.transpose(W1[:, :CC])
    w1d = W1[:, CC][None, :]
    w2t = jnp.transpose(W2)
    w3t = jnp.transpose(W3)
    b1r, g1r, be1r = b1[None, :], g1[None, :], be1[None, :]
    b2r, g2r, be2r = b2[None, :], g2[None, :], be2[None, :]
    b3r, g3r, be3r = b3[None, :], g3[None, :], be3[None, :]

    gidx, dist, sums = _k1_call(surf_xyz, atom_t)
    dist_col = dist.reshape(BB * MM * KK, 1)
    ftab_pad = jnp.pad(ftab, ((0, 0), (0, 128 - CC)))
    neb = _sc_gather_call(ftab_pad, gidx.reshape(-1))
    neb4 = neb.reshape(BB, MM, KK, 128)
    m1, m2 = _k3_call(neb4, dist_col, w1ft, w1d, b1r)
    scale1, shift1 = _mstats_call(m1, m2, g1r, be1r, CNT1)
    n1, n2 = _k4_call(neb4, dist_col, scale1, shift1, w1ft, w1d, b1r,
                      w2t, b2r)
    scale2, shift2 = _mstats_call(n1, n2, g2r, be2r, CNT1)
    sc, p1, p2 = _k5_call(neb4, dist_col, scale1, shift1, scale2, shift2,
                          w1ft, w1d, b1r, w2t, b2r, w3t, b3r)
    scale3, shift3 = _mstats_call(p1, p2, g3r, be3r, CNT3)
    return _k6_call(sc, w3t, b3r, scale3, shift3)

# --- scband reference (transcript-rebuilt; emitter-appended) ---
"""Pipeline reference for scband-atom-query-37306085933337 (READ-ONLY COPY).

The authoritative reference and input builder live on the scoring server;
editing this copy changes nothing except your own understanding.
"""

import jax, jax.numpy as jnp
import numpy as np

B, C, N, M, K = 4, 64, 2048, 8192, 16


def _bn(x, gamma, beta, axes):
    mean = jnp.mean(x, axis=axes, keepdims=True)
    var = jnp.mean((x - mean) ** 2, axis=axes, keepdims=True)
    xn = (x - mean) / jnp.sqrt(var + 1e-5)
    shape = [1] * x.ndim
    shape[1] = -1
    return xn * gamma.reshape(shape) + beta.reshape(shape)


def _lrelu(x):
    return jnp.where(x >= 0, x, 0.2 * x)


def setup_inputs(seed: int = 0) -> dict:
    key = jax.random.key(seed)
    ks = jax.random.split(key, 8)
    atom_feats = jax.random.normal(ks[0], (B, C, N), dtype=jnp.float32)
    atom_xyz = jax.random.uniform(ks[1], (B, N, 3), dtype=jnp.float32)
    surf_xyz = jax.random.uniform(ks[2], (B, M, 3), dtype=jnp.float32)
    W1 = jax.random.normal(ks[3], (C, C + 1), dtype=jnp.float32) * 0.1
    b1 = jnp.zeros((C,), jnp.float32)
    g1 = jnp.ones((C,), jnp.float32)
    be1 = jnp.zeros((C,), jnp.float32)
    W2 = jax.random.normal(ks[4], (C, C), dtype=jnp.float32) * 0.1
    b2 = jnp.zeros((C,), jnp.float32)
    g2 = jnp.ones((C,), jnp.float32)
    be2 = jnp.zeros((C,), jnp.float32)
    W3 = jax.random.normal(ks[5], (C, 2 * C), dtype=jnp.float32) * 0.1
    b3 = jnp.zeros((C,), jnp.float32)
    g3 = jnp.ones((C,), jnp.float32)
    be3 = jnp.zeros((C,), jnp.float32)
    return {"atom_feats": atom_feats, "atom_xyz": atom_xyz, "surf_xyz": surf_xyz,
            "W1": W1, "b1": b1, "g1": g1, "be1": be1,
            "W2": W2, "b2": b2, "g2": g2, "be2": be2,
            "W3": W3, "b3": b3, "g3": g3, "be3": be3}


def reference(atom_feats, atom_xyz, surf_xyz, W1, b1, g1, be1, W2, b2, g2, be2, W3, b3, g3, be3):
    # brute-force KNN: for each surf point (query), k nearest atoms (ref)
    d2 = (jnp.sum(surf_xyz ** 2, axis=-1)[:, :, None]
          + jnp.sum(atom_xyz ** 2, axis=-1)[:, None, :]
          - 2.0 * jnp.einsum('bmd,bnd->bmn', surf_xyz, atom_xyz))  # B,M,N
    neg, idx = jax.lax.top_k(-d2, K)  # B,M,K
    dist = jnp.sqrt(jnp.maximum(-neg, 1e-12))  # euclidean distances B,M,K
    # grouping_operation: gather neighbor features B,C,M,K
    neb = jax.vmap(lambda f, i: f[:, i])(atom_feats, idx)
    x = jnp.concatenate([neb, dist[:, None, :, :]], axis=1)  # B,C+1,M,K
    x = _lrelu(_bn(jnp.einsum('oc,bcmk->bomk', W1, x) + b1[None, :, None, None], g1, be1, (0, 2, 3)))
    s1 = jnp.sum(x, axis=-1)  # B,C,M
    x = _lrelu(_bn(jnp.einsum('oc,bcmk->bomk', W2, x) + b2[None, :, None, None], g2, be2, (0, 2, 3)))
    s2 = jnp.sum(x, axis=-1)  # B,C,M
    sc = jnp.concatenate([s1, s2], axis=1)  # B,2C,M
    out = _lrelu(_bn(jnp.einsum('oc,bcm->bom', W3, sc) + b3[None, :, None], g3, be3, (0, 2)))
    return out

if __name__ == "__main__":
    import jax
    _d = setup_inputs()
    print(jax.jit(kernel)(*tuple(_d.values())))

</pallas_src>

<mosaic_0001>
#map = affine_map<(d0, d1) -> (0, 0)>
#map1 = affine_map<(d0, d1) -> (0)>
module attributes {stable_mosaic.version = 14 : i64} {
  func.func @k(%arg0: i32, %arg1: i32, %arg2: memref<8192x128xf32, #tpu.memory_space<hbm>>, %arg3: memref<524288xi32, #tpu.memory_space<hbm>>, %arg4: memref<524288x128xf32, #tpu.memory_space<hbm>>, %arg5: memref<256xi32, #tpu.memory_space<vmem>>, %arg6: memref<256xi32, #tpu.memory_space<vmem>>, %arg7: memref<256x128xf32, #tpu.memory_space<vmem>>, %arg8: memref<256x128xf32, #tpu.memory_space<vmem>>, %arg9: memref<!tpu.dma_semaphore, #tpu.memory_space<semaphore_mem>>, %arg10: memref<!tpu.dma_semaphore, #tpu.memory_space<semaphore_mem>>, %arg11: memref<!tpu.dma_semaphore, #tpu.memory_space<semaphore_mem>>, %arg12: memref<!tpu.dma_semaphore, #tpu.memory_space<semaphore_mem>>) attributes {dimension_semantics = [#tpu.dimension_semantics<core_parallel>, #tpu.dimension_semantics<subcore_parallel>], iteration_bounds = array<i64: 2, 16>, scalar_prefetch = 0 : i64, scratch_operands = 8 : i64, tpu.core_type = #tpu.core_type<sc_vector_subcore>, window_params = [{transform_indices = #map}, {transform_indices = #map1}, {transform_indices = #map}]} {
    %mul3A = arith.constant 2 : i32
    %mul3A_0 = arith.muli %arg1, %mul3A : i32
    %add3A = arith.addi %mul3A_0, %arg0 : i32
    %scan3A = arith.constant 0 : i32
    %scan3A_1 = arith.constant 0 : i32
    %scan3A_2 = arith.constant 32 : i32
    %scan3A_3 = arith.addi %scan3A_1, %scan3A_2 : i32
    %scan3A_4 = arith.constant 1 : i32
    scf.for %scan3A_6 = %scan3A_1 to %scan3A_3 step %scan3A_4  : i32 {
      %mul3A_7 = arith.constant 16384 : i32
      %mul3A_8 = arith.muli %add3A, %mul3A_7 : i32
      %mul3A_9 = arith.constant 2 : i32
      %mul3A_10 = arith.muli %mul3A_9, %scan3A_6 : i32
      %mul3A_11 = arith.constant 256 : i32
      %mul3A_12 = arith.muli %mul3A_10, %mul3A_11 : i32
      %add3A_13 = arith.addi %mul3A_8, %mul3A_12 : i32
      %add3A_14 = arith.constant 256 : i32
      %add3A_15 = arith.addi %add3A_13, %add3A_14 : i32
      "tpu.region"() ({
        %run_scoped3A = tpu.sem_alloc : memref<!tpu.dma_semaphore, #tpu.memory_space<semaphore_mem>>
        %dma_start3A_42 = tpu.memref_slice %arg3[%add3A_13] : memref<524288xi32, #tpu.memory_space<hbm>> -> memref<256xi32, #tpu.memory_space<hbm>>
        %dma_start3A_43 = tpu.memref_slice %arg3[%add3A_13] : memref<524288xi32, #tpu.memory_space<hbm>> -> memref<256xi32, #tpu.memory_space<hbm>>
        tpu.enqueue_dma source(%dma_start3A_43 : memref<256xi32, #tpu.memory_space<hbm>>) target(%arg5 : memref<256xi32, #tpu.memory_space<vmem>>) target_semaphore(%run_scoped3A : memref<!tpu.dma_semaphore, #tpu.memory_space<semaphore_mem>>)
        %dma_wait3A_44 = tpu.memref_slice %arg3[%add3A_13] : memref<524288xi32, #tpu.memory_space<hbm>> -> memref<256xi32, #tpu.memory_space<hbm>>
        %dma_wait3A_45 = tpu.memref_slice %arg3[%add3A_13] : memref<524288xi32, #tpu.memory_space<hbm>> -> memref<256xi32, #tpu.memory_space<hbm>>
        tpu.wait_dma2 semaphore(%run_scoped3A : memref<!tpu.dma_semaphore, #tpu.memory_space<semaphore_mem>>) src(%dma_wait3A_45 : memref<256xi32, #tpu.memory_space<hbm>>) dst(%arg5 : memref<256xi32, #tpu.memory_space<vmem>>)
        tpu.yield
      }) : () -> ()
      %dma_start3A = arith.constant 0 : i32
      %dma_start3A_16 = arith.constant 0 : i32
      %dma_start3A_17 = tpu.memref_slice %arg2[%dma_start3A, %dma_start3A_16] : memref<8192x128xf32, #tpu.memory_space<hbm>> -> memref<8192x128xf32, #tpu.memory_space<hbm>>
      tpu.enqueue_indirect_dma source(%dma_start3A_17 : memref<8192x128xf32, #tpu.memory_space<hbm>>) target(%arg7 : memref<256x128xf32, #tpu.memory_space<vmem>>) offsets(%arg5 : memref<256xi32, #tpu.memory_space<vmem>>) semaphore(%arg9 : memref<!tpu.dma_semaphore, #tpu.memory_space<semaphore_mem>>)
      "tpu.region"() ({
        %run_scoped3A = tpu.sem_alloc : memref<!tpu.dma_semaphore, #tpu.memory_space<semaphore_mem>>
        %dma_start3A_42 = tpu.memref_slice %arg3[%add3A_15] : memref<524288xi32, #tpu.memory_space<hbm>> -> memref<256xi32, #tpu.memory_space<hbm>>
        %dma_start3A_43 = tpu.memref_slice %arg3[%add3A_15] : memref<524288xi32, #tpu.memory_space<hbm>> -> memref<256xi32, #tpu.memory_space<hbm>>
        tpu.enqueue_dma source(%dma_start3A_43 : memref<256xi32, #tpu.memory_space<hbm>>) target(%arg6 : memref<256xi32, #tpu.memory_space<vmem>>) target_semaphore(%run_scoped3A : memref<!tpu.dma_semaphore, #tpu.memory_space<semaphore_mem>>)
        %dma_wait3A_44 = tpu.memref_slice %arg3[%add3A_15] : memref<524288xi32, #tpu.memory_space<hbm>> -> memref<256xi32, #tpu.memory_space<hbm>>
        %dma_wait3A_45 = tpu.memref_slice %arg3[%add3A_15] : memref<524288xi32, #tpu.memory_space<hbm>> -> memref<256xi32, #tpu.memory_space<hbm>>
        tpu.wait_dma2 semaphore(%run_scoped3A : memref<!tpu.dma_semaphore, #tpu.memory_space<semaphore_mem>>) src(%dma_wait3A_45 : memref<256xi32, #tpu.memory_space<hbm>>) dst(%arg6 : memref<256xi32, #tpu.memory_space<vmem>>)
        tpu.yield
      }) : () -> ()
      %dma_start3A_18 = arith.constant 0 : i32
      %dma_start3A_19 = arith.constant 0 : i32
      %dma_start3A_20 = tpu.memref_slice %arg2[%dma_start3A_18, %dma_start3A_19] : memref<8192x128xf32, #tpu.memory_space<hbm>> -> memref<8192x128xf32, #tpu.memory_space<hbm>>
      tpu.enqueue_indirect_dma source(%dma_start3A_20 : memref<8192x128xf32, #tpu.memory_space<hbm>>) target(%arg8 : memref<256x128xf32, #tpu.memory_space<vmem>>) offsets(%arg6 : memref<256xi32, #tpu.memory_space<vmem>>) semaphore(%arg10 : memref<!tpu.dma_semaphore, #tpu.memory_space<semaphore_mem>>)
      %dma_wait3A = arith.constant 0 : i32
      %dma_wait3A_21 = arith.constant 0 : i32
      %dma_wait3A_22 = tpu.memref_slice %arg2[%dma_wait3A, %dma_wait3A_21] : memref<8192x128xf32, #tpu.memory_space<hbm>> -> memref<8192x128xf32, #tpu.memory_space<hbm>>
      tpu.wait_indirect_dma semaphore(%arg9 : memref<!tpu.dma_semaphore, #tpu.memory_space<semaphore_mem>>) src(%dma_wait3A_22 : memref<8192x128xf32, #tpu.memory_space<hbm>>) dst(%arg7 : memref<256x128xf32, #tpu.memory_space<vmem>>)
      %dma_start3A_23 = arith.constant 0 : i32
      %dma_start3A_24 = tpu.memref_slice %arg4[%add3A_13, %dma_start3A_23] : memref<524288x128xf32, #tpu.memory_space<hbm>> -> memref<256x128xf32, #tpu.memory_space<hbm>>
      %dma_start3A_25 = arith.constant 0 : i32
      %dma_start3A_26 = tpu.memref_slice %arg4[%add3A_13, %dma_start3A_25] : memref<524288x128xf32, #tpu.memory_space<hbm>> -> memref<256x128xf32, #tpu.memory_space<hbm>>
      tpu.enqueue_dma source(%arg7 : memref<256x128xf32, #tpu.memory_space<vmem>>) target(%dma_start3A_26 : memref<256x128xf32, #tpu.memory_space<hbm>>) target_semaphore(%arg11 : memref<!tpu.dma_semaphore, #tpu.memory_space<semaphore_mem>>)
      %dma_wait3A_27 = arith.constant 0 : i32
      %dma_wait3A_28 = arith.constant 0 : i32
      %dma_wait3A_29 = tpu.memref_slice %arg2[%dma_wait3A_27, %dma_wait3A_28] : memref<8192x128xf32, #tpu.memory_space<hbm>> -> memref<8192x128xf32, #tpu.memory_space<hbm>>
      tpu.wait_indirect_dma semaphore(%arg10 : memref<!tpu.dma_semaphore, #tpu.memory_space<semaphore_mem>>) src(%dma_wait3A_29 : memref<8192x128xf32, #tpu.memory_space<hbm>>) dst(%arg8 : memref<256x128xf32, #tpu.memory_space<vmem>>)
      %dma_start3A_30 = arith.constant 0 : i32
      %dma_start3A_31 = tpu.memref_slice %arg4[%add3A_15, %dma_start3A_30] : memref<524288x128xf32, #tpu.memory_space<hbm>> -> memref<256x128xf32, #tpu.memory_space<hbm>>
      %dma_start3A_32 = arith.constant 0 : i32
      %dma_start3A_33 = tpu.memref_slice %arg4[%add3A_15, %dma_start3A_32] : memref<524288x128xf32, #tpu.memory_space<hbm>> -> memref<256x128xf32, #tpu.memory_space<hbm>>
      tpu.enqueue_dma source(%arg8 : memref<256x128xf32, #tpu.memory_space<vmem>>) target(%dma_start3A_33 : memref<256x128xf32, #tpu.memory_space<hbm>>) target_semaphore(%arg12 : memref<!tpu.dma_semaphore, #tpu.memory_space<semaphore_mem>>)
      %dma_wait3A_34 = arith.constant 0 : i32
      %dma_wait3A_35 = tpu.memref_slice %arg4[%add3A_13, %dma_wait3A_34] : memref<524288x128xf32, #tpu.memory_space<hbm>> -> memref<256x128xf32, #tpu.memory_space<hbm>>
      %dma_wait3A_36 = arith.constant 0 : i32
      %dma_wait3A_37 = tpu.memref_slice %arg4[%add3A_13, %dma_wait3A_36] : memref<524288x128xf32, #tpu.memory_space<hbm>> -> memref<256x128xf32, #tpu.memory_space<hbm>>
      tpu.wait_dma2 semaphore(%arg11 : memref<!tpu.dma_semaphore, #tpu.memory_space<semaphore_mem>>) src(%arg7 : memref<256x128xf32, #tpu.memory_space<vmem>>) dst(%dma_wait3A_37 : memref<256x128xf32, #tpu.memory_space<hbm>>)
      %dma_wait3A_38 = arith.constant 0 : i32
      %dma_wait3A_39 = tpu.memref_slice %arg4[%add3A_15, %dma_wait3A_38] : memref<524288x128xf32, #tpu.memory_space<hbm>> -> memref<256x128xf32, #tpu.memory_space<hbm>>
      %dma_wait3A_40 = arith.constant 0 : i32
      %dma_wait3A_41 = tpu.memref_slice %arg4[%add3A_15, %dma_wait3A_40] : memref<524288x128xf32, #tpu.memory_space<hbm>> -> memref<256x128xf32, #tpu.memory_space<hbm>>
      tpu.wait_dma2 semaphore(%arg12 : memref<!tpu.dma_semaphore, #tpu.memory_space<semaphore_mem>>) src(%arg8 : memref<256x128xf32, #tpu.memory_space<vmem>>) dst(%dma_wait3A_41 : memref<256x128xf32, #tpu.memory_space<hbm>>)
    }
    %scan3A_5 = arith.constant 32 : i32
    return
  }
}

module attributes {stable_mosaic.version = 14 : i64} {
  func.func @_k1_body(%arg0: i32, %arg1: i32, %arg2: memref<1x256x3xf32, #tpu.memory_space<vmem>>, %arg3: memref<1x3x2048xf32, #tpu.memory_space<vmem>>, %arg4: memref<1x256x16xi32, #tpu.memory_space<vmem>>, %arg5: memref<1x256x16xf32, #tpu.memory_space<vmem>>, %arg6: memref<1x128xf32, #tpu.memory_space<vmem>>) attributes {dimension_semantics = [#tpu.dimension_semantics<arbitrary>, #tpu.dimension_semantics<arbitrary>], iteration_bounds = array<i64: 4, 32>, scalar_prefetch = 0 : i64, scratch_operands = 0 : i64, tpu.core_type = #tpu.core_type<tc>, window_params = [{transform_indices = @transform_0, window_bounds = array<i64: 1, 256, 3>}, {transform_indices = @transform_1, window_bounds = array<i64: 1, 3, 2048>}, {transform_indices = @transform_2, window_bounds = array<i64: 1, 256, 16>}, {transform_indices = @transform_3, window_bounds = array<i64: 1, 256, 16>}, {pipeline_mode = #tpu.pipeline_mode<synchronous>, transform_indices = @transform_4, window_bounds = array<i64: 1, 128>}]} {
    %get3A = arith.constant 0 : index
    %get3A_0 = arith.constant 0 : index
    %get3A_1 = arith.constant 0 : index
    %get3A_2 = vector.load %arg2[%get3A, %get3A_0, %get3A_1] : memref<1x256x3xf32, #tpu.memory_space<vmem>>, vector<1x256x3xf32>
    %get3A_3 = vector.shape_cast %get3A_2 : vector<1x256x3xf32> to vector<256x3xf32>
    %get3A_4 = arith.constant 0 : index
    %get3A_5 = arith.constant 0 : index
    %get3A_6 = arith.constant 0 : index
    %get3A_7 = vector.load %arg3[%get3A_4, %get3A_5, %get3A_6] : memref<1x3x2048xf32, #tpu.memory_space<vmem>>, vector<1x3x2048xf32>
    %get3A_8 = vector.shape_cast %get3A_7 : vector<1x3x2048xf32> to vector<3x2048xf32>
    %slice3A = vector.extract_strided_slice %get3A_3 {offsets = [0, 0], sizes = [256, 1], strides = [1, 1]} : vector<256x3xf32> to vector<256x1xf32>
    %slice3A_9 = vector.extract_strided_slice %get3A_3 {offsets = [0, 0], sizes = [256, 1], strides = [1, 1]} : vector<256x3xf32> to vector<256x1xf32>
    %mul3A = arith.mulf %slice3A, %slice3A_9 : vector<256x1xf32>
    %slice3A_10 = vector.extract_strided_slice %get3A_3 {offsets = [0, 1], sizes = [256, 1], strides = [1, 1]} : vector<256x3xf32> to vector<256x1xf32>
    %slice3A_11 = vector.extract_strided_slice %get3A_3 {offsets = [0, 1], sizes = [256, 1], strides = [1, 1]} : vector<256x3xf32> to vector<256x1xf32>
    %mul3A_12 = arith.mulf %slice3A_10, %slice3A_11 : vector<256x1xf32>
    %add3A = arith.addf %mul3A, %mul3A_12 : vector<256x1xf32>
    %slice3A_13 = vector.extract_strided_slice %get3A_3 {offsets = [0, 2], sizes = [256, 1], strides = [1, 1]} : vector<256x3xf32> to vector<256x1xf32>
    %slice3A_14 = vector.extract_strided_slice %get3A_3 {offsets = [0, 2], sizes = [256, 1], strides = [1, 1]} : vector<256x3xf32> to vector<256x1xf32>
    %mul3A_15 = arith.mulf %slice3A_13, %slice3A_14 : vector<256x1xf32>
    %add3A_16 = arith.addf %add3A, %mul3A_15 : vector<256x1xf32>
    %slice3A_17 = vector.extract_strided_slice %get3A_8 {offsets = [0, 0], sizes = [1, 2048], strides = [1, 1]} : vector<3x2048xf32> to vector<1x2048xf32>
    %slice3A_18 = vector.extract_strided_slice %get3A_8 {offsets = [0, 0], sizes = [1, 2048], strides = [1, 1]} : vector<3x2048xf32> to vector<1x2048xf32>
    %mul3A_19 = arith.mulf %slice3A_17, %slice3A_18 : vector<1x2048xf32>
    %slice3A_20 = vector.extract_strided_slice %get3A_8 {offsets = [1, 0], sizes = [1, 2048], strides = [1, 1]} : vector<3x2048xf32> to vector<1x2048xf32>
    %slice3A_21 = vector.extract_strided_slice %get3A_8 {offsets = [1, 0], sizes = [1, 2048], strides = [1, 1]} : vector<3x2048xf32> to vector<1x2048xf32>
    %mul3A_22 = arith.mulf %slice3A_20, %slice3A_21 : vector<1x2048xf32>
    %add3A_23 = arith.addf %mul3A_19, %mul3A_22 : vector<1x2048xf32>
    %slice3A_24 = vector.extract_strided_slice %get3A_8 {offsets = [2, 0], sizes = [1, 2048], strides = [1, 1]} : vector<3x2048xf32> to vector<1x2048xf32>
    %slice3A_25 = vector.extract_strided_slice %get3A_8 {offsets = [2, 0], sizes = [1, 2048], strides = [1, 1]} : vector<3x2048xf32> to vector<1x2048xf32>
    %mul3A_26 = arith.mulf %slice3A_24, %slice3A_25 : vector<1x2048xf32>
    %add3A_27 = arith.addf %add3A_23, %mul3A_26 : vector<1x2048xf32>
    %convert_element_type3A = arith.truncf %get3A_3 : vector<256x3xf32> to vector<256x3xbf16>
    %convert_element_type3A_28 = arith.truncf %get3A_8 : vector<3x2048xf32> to vector<3x2048xbf16>
    %dot_general3A = arith.constant dense<0.000000e+00> : vector<256x2048xf32>
    %dot_general3A_29 = tpu.matmul %convert_element_type3A, %convert_element_type3A_28, %dot_general3A {dimension_numbers = #tpu.dot_dimension_numbers<[1], [0], [0], [1], [0, 0, 1, 1], [], []>, transpose_lhs_hint = false} : vector<256x3xbf16>, vector<3x2048xbf16>, vector<256x2048xf32> -> vector<256x2048xf32>
    %add3A_30 = vector.broadcast %add3A_16 : vector<256x1xf32> to vector<256x2048xf32>
    %add3A_31 = vector.broadcast %add3A_27 : vector<1x2048xf32> to vector<256x2048xf32>
    %add3A_32 = arith.addf %add3A_30, %add3A_31 : vector<256x2048xf32>
    %mul3A_33 = arith.constant 2.000000e+00 : f32
    %mul3A_34 = vector.broadcast %mul3A_33 : f32 to vector<256x2048xf32>
    %mul3A_35 = arith.mulf %mul3A_34, %dot_general3A_29 : vector<256x2048xf32>
    %sub3A = arith.subf %add3A_32, %mul3A_35 : vector<256x2048xf32>
    %iota3A = tpu.iota {dimensions = array<i32: 1>} : vector<256x2048xi32>
    %convert_element_type3A_36 = arith.sitofp %iota3A : vector<256x2048xi32> to vector<256x2048xf32>
    %reduce_min3A = arith.constant dense<0x7F800000> : vector<256xf32>
    %reduce_min3A_37 = vector.multi_reduction <minimumf>, %sub3A, %reduce_min3A [1] : vector<256x2048xf32> to vector<256xf32>
    %broadcast_in_dim3A = vector.shape_cast %reduce_min3A_37 : vector<256xf32> to vector<256x1xf32>
    %eq3A = vector.broadcast %broadcast_in_dim3A : vector<256x1xf32> to vector<256x2048xf32>
    %eq3A_38 = arith.cmpf oeq, %sub3A, %eq3A : vector<256x2048xf32>
    %jit3A = arith.constant 2.048000e+03 : f32
    %broadcast_in_dim3A_39 = vector.broadcast %jit3A : f32 to vector<256x2048xf32>
    %select_n3A = arith.select %eq3A_38, %convert_element_type3A_36, %broadcast_in_dim3A_39 : vector<256x2048xi1>, vector<256x2048xf32>
    %reduce_min3A_40 = arith.constant dense<0x7F800000> : vector<256xf32>
    %reduce_min3A_41 = vector.multi_reduction <minimumf>, %select_n3A, %reduce_min3A_40 [1] : vector<256x2048xf32> to vector<256xf32>
    %broadcast_in_dim3A_42 = vector.shape_cast %reduce_min3A_41 : vector<256xf32> to vector<256x1xf32>
    %eq3A_43 = vector.broadcast %broadcast_in_dim3A_42 : vector<256x1xf32> to vector<256x2048xf32>
    %eq3A_44 = arith.cmpf oeq, %select_n3A, %eq3A_43 : vector<256x2048xf32>
    %jit3A_45 = arith.constant 0x7F800000 : f32
    %broadcast_in_dim3A_46 = vector.broadcast %jit3A_45 : f32 to vector<256x2048xf32>
    %select_n3A_47 = arith.select %eq3A_44, %broadcast_in_dim3A_46, %sub3A : vector<256x2048xi1>, vector<256x2048xf32>
    %max3A = arith.constant 9.99999996E-13 : f32
    %max3A_48 = vector.broadcast %max3A : f32 to vector<256x1xf32>
    %max3A_49 = arith.maximumf %broadcast_in_dim3A, %max3A_48 : vector<256x1xf32>
    %sqrt3A = math.sqrt %max3A_49 : vector<256x1xf32>
    %reduce_min3A_50 = arith.constant dense<0x7F800000> : vector<256xf32>
    %reduce_min3A_51 = vector.multi_reduction <minimumf>, %select_n3A_47, %reduce_min3A_50 [1] : vector<256x2048xf32> to vector<256xf32>
    %broadcast_in_dim3A_52 = vector.shape_cast %reduce_min3A_51 : vector<256xf32> to vector<256x1xf32>
    %eq3A_53 = vector.broadcast %broadcast_in_dim3A_52 : vector<256x1xf32> to vector<256x2048xf32>
    %eq3A_54 = arith.cmpf oeq, %select_n3A_47, %eq3A_53 : vector<256x2048xf32>
    %jit3A_55 = arith.constant 2.048000e+03 : f32
    %broadcast_in_dim3A_56 = vector.broadcast %jit3A_55 : f32 to vector<256x2048xf32>
    %select_n3A_57 = arith.select %eq3A_54, %convert_element_type3A_36, %broadcast_in_dim3A_56 : vector<256x2048xi1>, vector<256x2048xf32>
    %reduce_min3A_58 = arith.constant dense<0x7F800000> : vector<256xf32>
    %reduce_min3A_59 = vector.multi_reduction <minimumf>, %select_n3A_57, %reduce_min3A_58 [1] : vector<256x2048xf32> to vector<256xf32>
    %broadcast_in_dim3A_60 = vector.shape_cast %reduce_min3A_59 : vector<256xf32> to vector<256x1xf32>
    %eq3A_61 = vector.broadcast %broadcast_in_dim3A_60 : vector<256x1xf32> to vector<256x2048xf32>
    %eq3A_62 = arith.cmpf oeq, %select_n3A_57, %eq3A_61 : vector<256x2048xf32>
    %jit3A_63 = arith.constant 0x7F800000 : f32
    %broadcast_in_dim3A_64 = vector.broadcast %jit3A_63 : f32 to vector<256x2048xf32>
    %select_n3A_65 = arith.select %eq3A_62, %broadcast_in_dim3A_64, %select_n3A_47 : vector<256x2048xi1>, vector<256x2048xf32>
    %max3A_66 = arith.constant 9.99999996E-13 : f32
    %max3A_67 = vector.broadcast %max3A_66 : f32 to vector<256x1xf32>
    %max3A_68 = arith.maximumf %broadcast_in_dim3A_52, %max3A_67 : vector<256x1xf32>
    %sqrt3A_69 = math.sqrt %max3A_68 : vector<256x1xf32>
    %reduce_min3A_70 = arith.constant dense<0x7F800000> : vector<256xf32>
    %reduce_min3A_71 = vector.multi_reduction <minimumf>, %select_n3A_65, %reduce_min3A_70 [1] : vector<256x2048xf32> to vector<256xf32>
    %broadcast_in_dim3A_72 = vector.shape_cast %reduce_min3A_71 : vector<256xf32> to vector<256x1xf32>
    %eq3A_73 = vector.broadcast %broadcast_in_dim3A_72 : vector<256x1xf32> to vector<256x2048xf32>
    %eq3A_74 = arith.cmpf oeq, %select_n3A_65, %eq3A_73 : vector<256x2048xf32>
    %jit3A_75 = arith.constant 2.048000e+03 : f32
    %broadcast_in_dim3A_76 = vector.broadcast %jit3A_75 : f32 to vector<256x2048xf32>
    %select_n3A_77 = arith.select %eq3A_74, %convert_element_type3A_36, %broadcast_in_dim3A_76 : vector<256x2048xi1>, vector<256x2048xf32>
    %reduce_min3A_78 = arith.constant dense<0x7F800000> : vector<256xf32>
    %reduce_min3A_79 = vector.multi_reduction <minimumf>, %select_n3A_77, %reduce_min3A_78 [1] : vector<256x2048xf32> to vector<256xf32>
    %broadcast_in_dim3A_80 = vector.shape_cast %reduce_min3A_79 : vector<256xf32> to vector<256x1xf32>
    %eq3A_81 = vector.broadcast %broadcast_in_dim3A_80 : vector<256x1xf32> to vector<256x2048xf32>
    %eq3A_82 = arith.cmpf oeq, %select_n3A_77, %eq3A_81 : vector<256x2048xf32>
    %jit3A_83 = arith.constant 0x7F800000 : f32
    %broadcast_in_dim3A_84 = vector.broadcast %jit3A_83 : f32 to vector<256x2048xf32>
    %select_n3A_85 = arith.select %eq3A_82, %broadcast_in_dim3A_84, %select_n3A_65 : vector<256x2048xi1>, vector<256x2048xf32>
    %max3A_86 = arith.constant 9.99999996E-13 : f32
    %max3A_87 = vector.broadcast %max3A_86 : f32 to vector<256x1xf32>
    %max3A_88 = arith.maximumf %broadcast_in_dim3A_72, %max3A_87 : vector<256x1xf32>
    %sqrt3A_89 = math.sqrt %max3A_88 : vector<256x1xf32>
    %reduce_min3A_90 = arith.constant dense<0x7F800000> : vector<256xf32>
    %reduce_min3A_91 = vector.multi_reduction <minimumf>, %select_n3A_85, %reduce_min3A_90 [1] : vector<256x2048xf32> to vector<256xf32>
    %broadcast_in_dim3A_92 = vector.shape_cast %reduce_min3A_91 : vector<256xf32> to vector<256x1xf32>
    %eq3A_93 = vector.broadcast %broadcast_in_dim3A_92 : vector<256x1xf32> to vector<256x2048xf32>
    %eq3A_94 = arith.cmpf oeq, %select_n3A_85, %eq3A_93 : vector<256x2048xf32>
    %jit3A_95 = arith.constant 2.048000e+03 : f32
    %broadcast_in_dim3A_96 = vector.broadcast %jit3A_95 : f32 to vector<256x2048xf32>
    %select_n3A_97 = arith.select %eq3A_94, %convert_element_type3A_36, %broadcast_in_dim3A_96 : vector<256x2048xi1>, vector<256x2048xf32>
    %reduce_min3A_98 = arith.constant dense<0x7F800000> : vector<256xf32>
    %reduce_min3A_99 = vector.multi_reduction <minimumf>, %select_n3A_97, %reduce_min3A_98 [1] : vector<256x2048xf32> to vector<256xf32>
    %broadcast_in_dim3A_100 = vector.shape_cast %reduce_min3A_99 : vector<256xf32> to vector<256x1xf32>
    %eq3A_101 = vector.broadcast %broadcast_in_dim3A_100 : vector<256x1xf32> to vector<256x2048xf32>
    %eq3A_102 = arith.cmpf oeq, %select_n3A_97, %eq3A_101 : vector<256x2048xf32>
    %jit3A_103 = arith.constant 0x7F800000 : f32
    %broadcast_in_dim3A_104 = vector.broadcast %jit3A_103 : f32 to vector<256x2048xf32>
    %select_n3A_105 = arith.select %eq3A_102, %broadcast_in_dim3A_104, %select_n3A_85 : vector<256x2048xi1>, vector<256x2048xf32>
    %max3A_106 = arith.constant 9.99999996E-13 : f32
    %max3A_107 = vector.broadcast %max3A_106 : f32 to vector<256x1xf32>
    %max3A_108 = arith.maximumf %broadcast_in_dim3A_92, %max3A_107 : vector<256x1xf32>
    %sqrt3A_109 = math.sqrt %max3A_108 : vector<256x1xf32>
    %reduce_min3A_110 = arith.constant dense<0x7F800000> : vector<256xf32>
    %reduce_min3A_111 = vector.multi_reduction <minimumf>, %select_n3A_105, %reduce_min3A_110 [1] : vector<256x2048xf32> to vector<256xf32>
    %broadcast_in_dim3A_112 = vector.shape_cast %reduce_min3A_111 : vector<256xf32> to vector<256x1xf32>
    %eq3A_113 = vector.broadcast %broadcast_in_dim3A_112 : vector<256x1xf32> to vector<256x2048xf32>
    %eq3A_114 = arith.cmpf oeq, %select_n3A_105, %eq3A_113 : vector<256x2048xf32>
    %jit3A_115 = arith.constant 2.048000e+03 : f32
    %broadcast_in_dim3A_116 = vector.broadcast %jit3A_115 : f32 to vector<256x2048xf32>
    %select_n3A_117 = arith.select %eq3A_114, %convert_element_type3A_36, %broadcast_in_dim3A_116 : vector<256x2048xi1>, vector<256x2048xf32>
    %reduce_min3A_118 = arith.constant dense<0x7F800000> : vector<256xf32>
    %reduce_min3A_119 = vector.multi_reduction <minimumf>, %select_n3A_117, %reduce_min3A_118 [1] : vector<256x2048xf32> to vector<256xf32>
    %broadcast_in_dim3A_120 = vector.shape_cast %reduce_min3A_119 : vector<256xf32> to vector<256x1xf32>
    %eq3A_121 = vector.broadcast %broadcast_in_dim3A_120 : vector<256x1xf32> to vector<256x2048xf32>
    %eq3A_122 = arith.cmpf oeq, %select_n3A_117, %eq3A_121 : vector<256x2048xf32>
    %jit3A_123 = arith.constant 0x7F800000 : f32
    %broadcast_in_dim3A_124 = vector.broadcast %jit3A_123 : f32 to vector<256x2048xf32>
    %select_n3A_125 = arith.select %eq3A_122, %broadcast_in_dim3A_124, %select_n3A_105 : vector<256x2048xi1>, vector<256x2048xf32>
    %max3A_126 = arith.constant 9.99999996E-13 : f32
    %max3A_127 = vector.broadcast %max3A_126 : f32 to vector<256x1xf32>
    %max3A_128 = arith.maximumf %broadcast_in_dim3A_112, %max3A_127 : vector<256x1xf32>
    %sqrt3A_129 = math.sqrt %max3A_128 : vector<256x1xf32>
    %reduce_min3A_130 = arith.constant dense<0x7F800000> : vector<256xf32>
    %reduce_min3A_131 = vector.multi_reduction <minimumf>, %select_n3A_125, %reduce_min3A_130 [1] : vector<256x2048xf32> to vector<256xf32>
    %broadcast_in_dim3A_132 = vector.shape_cast %reduce_min3A_131 : vector<256xf32> to vector<256x1xf32>
    %eq3A_133 = vector.broadcast %broadcast_in_dim3A_132 : vector<256x1xf32> to vector<256x2048xf32>
    %eq3A_134 = arith.cmpf oeq, %select_n3A_125, %eq3A_133 : vector<256x2048xf32>
    %jit3A_135 = arith.constant 2.048000e+03 : f32
    %broadcast_in_dim3A_136 = vector.broadcast %jit3A_135 : f32 to vector<256x2048xf32>
    %select_n3A_137 = arith.select %eq3A_134, %convert_element_type3A_36, %broadcast_in_dim3A_136 : vector<256x2048xi1>, vector<256x2048xf32>
    %reduce_min3A_138 = arith.constant dense<0x7F800000> : vector<256xf32>
    %reduce_min3A_139 = vector.multi_reduction <minimumf>, %select_n3A_137, %reduce_min3A_138 [1] : vector<256x2048xf32> to vector<256xf32>
    %broadcast_in_dim3A_140 = vector.shape_cast %reduce_min3A_139 : vector<256xf32> to vector<256x1xf32>
    %eq3A_141 = vector.broadcast %broadcast_in_dim3A_140 : vector<256x1xf32> to vector<256x2048xf32>
    %eq3A_142 = arith.cmpf oeq, %select_n3A_137, %eq3A_141 : vector<256x2048xf32>
    %jit3A_143 = arith.constant 0x7F800000 : f32
    %broadcast_in_dim3A_144 = vector.broadcast %jit3A_143 : f32 to vector<256x2048xf32>
    %select_n3A_145 = arith.select %eq3A_142, %broadcast_in_dim3A_144, %select_n3A_125 : vector<256x2048xi1>, vector<256x2048xf32>
    %max3A_146 = arith.constant 9.99999996E-13 : f32
    %max3A_147 = vector.broadcast %max3A_146 : f32 to vector<256x1xf32>
    %max3A_148 = arith.maximumf %broadcast_in_dim3A_132, %max3A_147 : vector<256x1xf32>
    %sqrt3A_149 = math.sqrt %max3A_148 : vector<256x1xf32>
    %reduce_min3A_150 = arith.constant dense<0x7F800000> : vector<256xf32>
    %reduce_min3A_151 = vector.multi_reduction <minimumf>, %select_n3A_145, %reduce_min3A_150 [1] : vector<256x2048xf32> to vector<256xf32>
    %broadcast_in_dim3A_152 = vector.shape_cast %reduce_min3A_151 : vector<256xf32> to vector<256x1xf32>
    %eq3A_153 = vector.broadcast %broadcast_in_dim3A_152 : vector<256x1xf32> to vector<256x2048xf32>
    %eq3A_154 = arith.cmpf oeq, %select_n3A_145, %eq3A_153 : vector<256x2048xf32>
    %jit3A_155 = arith.constant 2.048000e+03 : f32
    %broadcast_in_dim3A_156 = vector.broadcast %jit3A_155 : f32 to vector<256x2048xf32>
    %select_n3A_157 = arith.select %eq3A_154, %convert_element_type3A_36, %broadcast_in_dim3A_156 : vector<256x2048xi1>, vector<256x2048xf32>
    %reduce_min3A_158 = arith.constant dense<0x7F800000> : vector<256xf32>
    %reduce_min3A_159 = vector.multi_reduction <minimumf>, %select_n3A_157, %reduce_min3A_158 [1] : vector<256x2048xf32> to vector<256xf32>
    %broadcast_in_dim3A_160 = vector.shape_cast %reduce_min3A_159 : vector<256xf32> to vector<256x1xf32>
    %eq3A_161 = vector.broadcast %broadcast_in_dim3A_160 : vector<256x1xf32> to vector<256x2048xf32>
    %eq3A_162 = arith.cmpf oeq, %select_n3A_157, %eq3A_161 : vector<256x2048xf32>
    %jit3A_163 = arith.constant 0x7F800000 : f32
    %broadcast_in_dim3A_164 = vector.broadcast %jit3A_163 : f32 to vector<256x2048xf32>
    %select_n3A_165 = arith.select %eq3A_162, %broadcast_in_dim3A_164, %select_n3A_145 : vector<256x2048xi1>, vector<256x2048xf32>
    %max3A_166 = arith.constant 9.99999996E-13 : f32
    %max3A_167 = vector.broadcast %max3A_166 : f32 to vector<256x1xf32>
    %max3A_168 = arith.maximumf %broadcast_in_dim3A_152, %max3A_167 : vector<256x1xf32>
    %sqrt3A_169 = math.sqrt %max3A_168 : vector<256x1xf32>
    %reduce_min3A_170 = arith.constant dense<0x7F800000> : vector<256xf32>
    %reduce_min3A_171 = vector.multi_reduction <minimumf>, %select_n3A_165, %reduce_min3A_170 [1] : vector<256x2048xf32> to vector<256xf32>
    %broadcast_in_dim3A_172 = vector.shape_cast %reduce_min3A_171 : vector<256xf32> to vector<256x1xf32>
    %eq3A_173 = vector.broadcast %broadcast_in_dim3A_172 : vector<256x1xf32> to vector<256x2048xf32>
    %eq3A_174 = arith.cmpf oeq, %select_n3A_165, %eq3A_173 : vector<256x2048xf32>
    %jit3A_175 = arith.constant 2.048000e+03 : f32
    %broadcast_in_dim3A_176 = vector.broadcast %jit3A_175 : f32 to vector<256x2048xf32>
    %select_n3A_177 = arith.select %eq3A_174, %convert_element_type3A_36, %broadcast_in_dim3A_176 : vector<256x2048xi1>, vector<256x2048xf32>
    %reduce_min3A_178 = arith.constant dense<0x7F800000> : vector<256xf32>
    %reduce_min3A_179 = vector.multi_reduction <minimumf>, %select_n3A_177, %reduce_min3A_178 [1] : vector<256x2048xf32> to vector<256xf32>
    %broadcast_in_dim3A_180 = vector.shape_cast %reduce_min3A_179 : vector<256xf32> to vector<256x1xf32>
    %eq3A_181 = vector.broadcast %broadcast_in_dim3A_180 : vector<256x1xf32> to vector<256x2048xf32>
    %eq3A_182 = arith.cmpf oeq, %select_n3A_177, %eq3A_181 : vector<256x2048xf32>
    %jit3A_183 = arith.constant 0x7F800000 : f32
    %broadcast_in_dim3A_184 = vector.broadcast %jit3A_183 : f32 to vector<256x2048xf32>
    %select_n3A_185 = arith.select %eq3A_182, %broadcast_in_dim3A_184, %select_n3A_165 : vector<256x2048xi1>, vector<256x2048xf32>
    %max3A_186 = arith.constant 9.99999996E-13 : f32
    %max3A_187 = vector.broadcast %max3A_186 : f32 to vector<256x1xf32>
    %max3A_188 = arith.maximumf %broadcast_in_dim3A_172, %max3A_187 : vector<256x1xf32>
    %sqrt3A_189 = math.sqrt %max3A_188 : vector<256x1xf32>
    %reduce_min3A_190 = arith.constant dense<0x7F800000> : vector<256xf32>
    %reduce_min3A_191 = vector.multi_reduction <minimumf>, %select_n3A_185, %reduce_min3A_190 [1] : vector<256x2048xf32> to vector<256xf32>
    %broadcast_in_dim3A_192 = vector.shape_cast %reduce_min3A_191 : vector<256xf32> to vector<256x1xf32>
    %eq3A_193 = vector.broadcast %broadcast_in_dim3A_192 : vector<256x1xf32> to vector<256x2048xf32>
    %eq3A_194 = arith.cmpf oeq, %select_n3A_185, %eq3A_193 : vector<256x2048xf32>
    %jit3A_195 = arith.constant 2.048000e+03 : f32
    %broadcast_in_dim3A_196 = vector.broadcast %jit3A_195 : f32 to vector<256x2048xf32>
    %select_n3A_197 = arith.select %eq3A_194, %convert_element_type3A_36, %broadcast_in_dim3A_196 : vector<256x2048xi1>, vector<256x2048xf32>
    %reduce_min3A_198 = arith.constant dense<0x7F800000> : vector<256xf32>
    %reduce_min3A_199 = vector.multi_reduction <minimumf>, %select_n3A_197, %reduce_min3A_198 [1] : vector<256x2048xf32> to vector<256xf32>
    %broadcast_in_dim3A_200 = vector.shape_cast %reduce_min3A_199 : vector<256xf32> to vector<256x1xf32>
    %eq3A_201 = vector.broadcast %broadcast_in_dim3A_200 : vector<256x1xf32> to vector<256x2048xf32>
    %eq3A_202 = arith.cmpf oeq, %select_n3A_197, %eq3A_201 : vector<256x2048xf32>
    %jit3A_203 = arith.constant 0x7F800000 : f32
    %broadcast_in_dim3A_204 = vector.broadcast %jit3A_203 : f32 to vector<256x2048xf32>
    %select_n3A_205 = arith.select %eq3A_202, %broadcast_in_dim3A_204, %select_n3A_185 : vector<256x2048xi1>, vector<256x2048xf32>
    %max3A_206 = arith.constant 9.99999996E-13 : f32
    %max3A_207 = vector.broadcast %max3A_206 : f32 to vector<256x1xf32>
    %max3A_208 = arith.maximumf %broadcast_in_dim3A_192, %max3A_207 : vector<256x1xf32>
    %sqrt3A_209 = math.sqrt %max3A_208 : vector<256x1xf32>
    %reduce_min3A_210 = arith.constant dense<0x7F800000> : vector<256xf32>
    %reduce_min3A_211 = vector.multi_reduction <minimumf>, %select_n3A_205, %reduce_min3A_210 [1] : vector<256x2048xf32> to vector<256xf32>
    %broadcast_in_dim3A_212 = vector.shape_cast %reduce_min3A_211 : vector<256xf32> to vector<256x1xf32>
    %eq3A_213 = vector.broadcast %broadcast_in_dim3A_212 : vector<256x1xf32> to vector<256x2048xf32>
    %eq3A_214 = arith.cmpf oeq, %select_n3A_205, %eq3A_213 : vector<256x2048xf32>
    %jit3A_215 = arith.constant 2.048000e+03 : f32
    %broadcast_in_dim3A_216 = vector.broadcast %jit3A_215 : f32 to vector<256x2048xf32>
    %select_n3A_217 = arith.select %eq3A_214, %convert_element_type3A_36, %broadcast_in_dim3A_216 : vector<256x2048xi1>, vector<256x2048xf32>
    %reduce_min3A_218 = arith.constant dense<0x7F800000> : vector<256xf32>
    %reduce_min3A_219 = vector.multi_reduction <minimumf>, %select_n3A_217, %reduce_min3A_218 [1] : vector<256x2048xf32> to vector<256xf32>
    %broadcast_in_dim3A_220 = vector.shape_cast %reduce_min3A_219 : vector<256xf32> to vector<256x1xf32>
    %eq3A_221 = vector.broadcast %broadcast_in_dim3A_220 : vector<256x1xf32> to vector<256x2048xf32>
    %eq3A_222 = arith.cmpf oeq, %select_n3A_217, %eq3A_221 : vector<256x2048xf32>
    %jit3A_223 = arith.constant 0x7F800000 : f32
    %broadcast_in_dim3A_224 = vector.broadcast %jit3A_223 : f32 to vector<256x2048xf32>
    %select_n3A_225 = arith.select %eq3A_222, %broadcast_in_dim3A_224, %select_n3A_205 : vector<256x2048xi1>, vector<256x2048xf32>
    %max3A_226 = arith.constant 9.99999996E-13 : f32
    %max3A_227 = vector.broadcast %max3A_226 : f32 to vector<256x1xf32>
    %max3A_228 = arith.maximumf %broadcast_in_dim3A_212, %max3A_227 : vector<256x1xf32>
    %sqrt3A_229 = math.sqrt %max3A_228 : vector<256x1xf32>
    %reduce_min3A_230 = arith.constant dense<0x7F800000> : vector<256xf32>
    %reduce_min3A_231 = vector.multi_reduction <minimumf>, %select_n3A_225, %reduce_min3A_230 [1] : vector<256x2048xf32> to vector<256xf32>
    %broadcast_in_dim3A_232 = vector.shape_cast %reduce_min3A_231 : vector<256xf32> to vector<256x1xf32>
    %eq3A_233 = vector.broadcast %broadcast_in_dim3A_232 : vector<256x1xf32> to vector<256x2048xf32>
    %eq3A_234 = arith.cmpf oeq, %select_n3A_225, %eq3A_233 : vector<256x2048xf32>
    %jit3A_235 = arith.constant 2.048000e+03 : f32
    %broadcast_in_dim3A_236 = vector.broadcast %jit3A_235 : f32 to vector<256x2048xf32>
    %select_n3A_237 = arith.select %eq3A_234, %convert_element_type3A_36, %broadcast_in_dim3A_236 : vector<256x2048xi1>, vector<256x2048xf32>
    %reduce_min3A_238 = arith.constant dense<0x7F800000> : vector<256xf32>
    %reduce_min3A_239 = vector.multi_reduction <minimumf>, %select_n3A_237, %reduce_min3A_238 [1] : vector<256x2048xf32> to vector<256xf32>
    %broadcast_in_dim3A_240 = vector.shape_cast %reduce_min3A_239 : vector<256xf32> to vector<256x1xf32>
    %eq3A_241 = vector.broadcast %broadcast_in_dim3A_240 : vector<256x1xf32> to vector<256x2048xf32>
    %eq3A_242 = arith.cmpf oeq, %select_n3A_237, %eq3A_241 : vector<256x2048xf32>
    %jit3A_243 = arith.constant 0x7F800000 : f32
    %broadcast_in_dim3A_244 = vector.broadcast %jit3A_243 : f32 to vector<256x2048xf32>
    %select_n3A_245 = arith.select %eq3A_242, %broadcast_in_dim3A_244, %select_n3A_225 : vector<256x2048xi1>, vector<256x2048xf32>
    %max3A_246 = arith.constant 9.99999996E-13 : f32
    %max3A_247 = vector.broadcast %max3A_246 : f32 to vector<256x1xf32>
    %max3A_248 = arith.maximumf %broadcast_in_dim3A_232, %max3A_247 : vector<256x1xf32>
    %sqrt3A_249 = math.sqrt %max3A_248 : vector<256x1xf32>
    %reduce_min3A_250 = arith.constant dense<0x7F800000> : vector<256xf32>
    %reduce_min3A_251 = vector.multi_reduction <minimumf>, %select_n3A_245, %reduce_min3A_250 [1] : vector<256x2048xf32> to vector<256xf32>
    %broadcast_in_dim3A_252 = vector.shape_cast %reduce_min3A_251 : vector<256xf32> to vector<256x1xf32>
    %eq3A_253 = vector.broadcast %broadcast_in_dim3A_252 : vector<256x1xf32> to vector<256x2048xf32>
    %eq3A_254 = arith.cmpf oeq, %select_n3A_245, %eq3A_253 : vector<256x2048xf32>
    %jit3A_255 = arith.constant 2.048000e+03 : f32
    %broadcast_in_dim3A_256 = vector.broadcast %jit3A_255 : f32 to vector<256x2048xf32>
    %select_n3A_257 = arith.select %eq3A_254, %convert_element_type3A_36, %broadcast_in_dim3A_256 : vector<256x2048xi1>, vector<256x2048xf32>
    %reduce_min3A_258 = arith.constant dense<0x7F800000> : vector<256xf32>
    %reduce_min3A_259 = vector.multi_reduction <minimumf>, %select_n3A_257, %reduce_min3A_258 [1] : vector<256x2048xf32> to vector<256xf32>
    %broadcast_in_dim3A_260 = vector.shape_cast %reduce_min3A_259 : vector<256xf32> to vector<256x1xf32>
    %eq3A_261 = vector.broadcast %broadcast_in_dim3A_260 : vector<256x1xf32> to vector<256x2048xf32>
    %eq3A_262 = arith.cmpf oeq, %select_n3A_257, %eq3A_261 : vector<256x2048xf32>
    %jit3A_263 = arith.constant 0x7F800000 : f32
    %broadcast_in_dim3A_264 = vector.broadcast %jit3A_263 : f32 to vector<256x2048xf32>
    %select_n3A_265 = arith.select %eq3A_262, %broadcast_in_dim3A_264, %select_n3A_245 : vector<256x2048xi1>, vector<256x2048xf32>
    %max3A_266 = arith.constant 9.99999996E-13 : f32
    %max3A_267 = vector.broadcast %max3A_266 : f32 to vector<256x1xf32>
    %max3A_268 = arith.maximumf %broadcast_in_dim3A_252, %max3A_267 : vector<256x1xf32>
    %sqrt3A_269 = math.sqrt %max3A_268 : vector<256x1xf32>
    %reduce_min3A_270 = arith.constant dense<0x7F800000> : vector<256xf32>
    %reduce_min3A_271 = vector.multi_reduction <minimumf>, %select_n3A_265, %reduce_min3A_270 [1] : vector<256x2048xf32> to vector<256xf32>
    %broadcast_in_dim3A_272 = vector.shape_cast %reduce_min3A_271 : vector<256xf32> to vector<256x1xf32>
    %eq3A_273 = vector.broadcast %broadcast_in_dim3A_272 : vector<256x1xf32> to vector<256x2048xf32>
    %eq3A_274 = arith.cmpf oeq, %select_n3A_265, %eq3A_273 : vector<256x2048xf32>
    %jit3A_275 = arith.constant 2.048000e+03 : f32
    %broadcast_in_dim3A_276 = vector.broadcast %jit3A_275 : f32 to vector<256x2048xf32>
    %select_n3A_277 = arith.select %eq3A_274, %convert_element_type3A_36, %broadcast_in_dim3A_276 : vector<256x2048xi1>, vector<256x2048xf32>
    %reduce_min3A_278 = arith.constant dense<0x7F800000> : vector<256xf32>
    %reduce_min3A_279 = vector.multi_reduction <minimumf>, %select_n3A_277, %reduce_min3A_278 [1] : vector<256x2048xf32> to vector<256xf32>
    %broadcast_in_dim3A_280 = vector.shape_cast %reduce_min3A_279 : vector<256xf32> to vector<256x1xf32>
    %eq3A_281 = vector.broadcast %broadcast_in_dim3A_280 : vector<256x1xf32> to vector<256x2048xf32>
    %eq3A_282 = arith.cmpf oeq, %select_n3A_277, %eq3A_281 : vector<256x2048xf32>
    %jit3A_283 = arith.constant 0x7F800000 : f32
    %broadcast_in_dim3A_284 = vector.broadcast %jit3A_283 : f32 to vector<256x2048xf32>
    %select_n3A_285 = arith.select %eq3A_282, %broadcast_in_dim3A_284, %select_n3A_265 : vector<256x2048xi1>, vector<256x2048xf32>
    %max3A_286 = arith.constant 9.99999996E-13 : f32
    %max3A_287 = vector.broadcast %max3A_286 : f32 to vector<256x1xf32>
    %max3A_288 = arith.maximumf %broadcast_in_dim3A_272, %max3A_287 : vector<256x1xf32>
    %sqrt3A_289 = math.sqrt %max3A_288 : vector<256x1xf32>
    %reduce_min3A_290 = arith.constant dense<0x7F800000> : vector<256xf32>
    %reduce_min3A_291 = vector.multi_reduction <minimumf>, %select_n3A_285, %reduce_min3A_290 [1] : vector<256x2048xf32> to vector<256xf32>
    %broadcast_in_dim3A_292 = vector.shape_cast %reduce_min3A_291 : vector<256xf32> to vector<256x1xf32>
    %eq3A_293 = vector.broadcast %broadcast_in_dim3A_292 : vector<256x1xf32> to vector<256x2048xf32>
    %eq3A_294 = arith.cmpf oeq, %select_n3A_285, %eq3A_293 : vector<256x2048xf32>
    %jit3A_295 = arith.constant 2.048000e+03 : f32
    %broadcast_in_dim3A_296 = vector.broadcast %jit3A_295 : f32 to vector<256x2048xf32>
    %select_n3A_297 = arith.select %eq3A_294, %convert_element_type3A_36, %broadcast_in_dim3A_296 : vector<256x2048xi1>, vector<256x2048xf32>
    %reduce_min3A_298 = arith.constant dense<0x7F800000> : vector<256xf32>
    %reduce_min3A_299 = vector.multi_reduction <minimumf>, %select_n3A_297, %reduce_min3A_298 [1] : vector<256x2048xf32> to vector<256xf32>
    %broadcast_in_dim3A_300 = vector.shape_cast %reduce_min3A_299 : vector<256xf32> to vector<256x1xf32>
    %eq3A_301 = vector.broadcast %broadcast_in_dim3A_300 : vector<256x1xf32> to vector<256x2048xf32>
    %eq3A_302 = arith.cmpf oeq, %select_n3A_297, %eq3A_301 : vector<256x2048xf32>
    %jit3A_303 = arith.constant 0x7F800000 : f32
    %broadcast_in_dim3A_304 = vector.broadcast %jit3A_303 : f32 to vector<256x2048xf32>
    %select_n3A_305 = arith.select %eq3A_302, %broadcast_in_dim3A_304, %select_n3A_285 : vector<256x2048xi1>, vector<256x2048xf32>
    %max3A_306 = arith.constant 9.99999996E-13 : f32
    %max3A_307 = vector.broadcast %max3A_306 : f32 to vector<256x1xf32>
    %max3A_308 = arith.maximumf %broadcast_in_dim3A_292, %max3A_307 : vector<256x1xf32>
    %sqrt3A_309 = math.sqrt %max3A_308 : vector<256x1xf32>
    %reduce_min3A_310 = arith.constant dense<0x7F800000> : vector<256xf32>
    %reduce_min3A_311 = vector.multi_reduction <minimumf>, %select_n3A_305, %reduce_min3A_310 [1] : vector<256x2048xf32> to vector<256xf32>
    %broadcast_in_dim3A_312 = vector.shape_cast %reduce_min3A_311 : vector<256xf32> to vector<256x1xf32>
    %eq3A_313 = vector.broadcast %broadcast_in_dim3A_312 : vector<256x1xf32> to vector<256x2048xf32>
    %eq3A_314 = arith.cmpf oeq, %select_n3A_305, %eq3A_313 : vector<256x2048xf32>
    %jit3A_315 = arith.constant 2.048000e+03 : f32
    %broadcast_in_dim3A_316 = vector.broadcast %jit3A_315 : f32 to vector<256x2048xf32>
    %select_n3A_317 = arith.select %eq3A_314, %convert_element_type3A_36, %broadcast_in_dim3A_316 : vector<256x2048xi1>, vector<256x2048xf32>
    %reduce_min3A_318 = arith.constant dense<0x7F800000> : vector<256xf32>
    %reduce_min3A_319 = vector.multi_reduction <minimumf>, %select_n3A_317, %reduce_min3A_318 [1] : vector<256x2048xf32> to vector<256xf32>
    %broadcast_in_dim3A_320 = vector.shape_cast %reduce_min3A_319 : vector<256xf32> to vector<256x1xf32>
    %eq3A_321 = vector.broadcast %broadcast_in_dim3A_320 : vector<256x1xf32> to vector<256x2048xf32>
    %eq3A_322 = arith.cmpf oeq, %select_n3A_317, %eq3A_321 : vector<256x2048xf32>
    %jit3A_323 = arith.constant 0x7F800000 : f32
    %broadcast_in_dim3A_324 = vector.broadcast %jit3A_323 : f32 to vector<256x2048xf32>
    %select_n3A_325 = arith.select %eq3A_322, %broadcast_in_dim3A_324, %select_n3A_305 : vector<256x2048xi1>, vector<256x2048xf32>
    %max3A_326 = arith.constant 9.99999996E-13 : f32
    %max3A_327 = vector.broadcast %max3A_326 : f32 to vector<256x1xf32>
    %max3A_328 = arith.maximumf %broadcast_in_dim3A_312, %max3A_327 : vector<256x1xf32>
    %sqrt3A_329 = math.sqrt %max3A_328 : vector<256x1xf32>
    %reduce_min3A_330 = arith.constant dense<0x7F800000> : vector<256xf32>
    %reduce_min3A_331 = vector.multi_reduction <minimumf>, %select_n3A_325, %reduce_min3A_330 [1] : vector<256x2048xf32> to vector<256xf32>
    %broadcast_in_dim3A_332 = vector.shape_cast %reduce_min3A_331 : vector<256xf32> to vector<256x1xf32>
    %eq3A_333 = vector.broadcast %broadcast_in_dim3A_332 : vector<256x1xf32> to vector<256x2048xf32>
    %eq3A_334 = arith.cmpf oeq, %select_n3A_325, %eq3A_333 : vector<256x2048xf32>
    %jit3A_335 = arith.constant 2.048000e+03 : f32
    %broadcast_in_dim3A_336 = vector.broadcast %jit3A_335 : f32 to vector<256x2048xf32>
    %select_n3A_337 = arith.select %eq3A_334, %convert_element_type3A_36, %broadcast_in_dim3A_336 : vector<256x2048xi1>, vector<256x2048xf32>
    %reduce_min3A_338 = arith.constant dense<0x7F800000> : vector<256xf32>
    %reduce_min3A_339 = vector.multi_reduction <minimumf>, %select_n3A_337, %reduce_min3A_338 [1] : vector<256x2048xf32> to vector<256xf32>
    %broadcast_in_dim3A_340 = vector.shape_cast %reduce_min3A_339 : vector<256xf32> to vector<256x1xf32>
    %max3A_341 = arith.constant 9.99999996E-13 : f32
    %max3A_342 = vector.broadcast %max3A_341 : f32 to vector<256x1xf32>
    %max3A_343 = arith.maximumf %broadcast_in_dim3A_332, %max3A_342 : vector<256x1xf32>
    %sqrt3A_344 = math.sqrt %max3A_343 : vector<256x1xf32>
    %concatenate3A = tpu.concatenate %broadcast_in_dim3A_42, %broadcast_in_dim3A_60, %broadcast_in_dim3A_80, %broadcast_in_dim3A_100, %broadcast_in_dim3A_120, %broadcast_in_dim3A_140, %broadcast_in_dim3A_160, %broadcast_in_dim3A_180, %broadcast_in_dim3A_200, %broadcast_in_dim3A_220, %broadcast_in_dim3A_240, %broadcast_in_dim3A_260, %broadcast_in_dim3A_280, %broadcast_in_dim3A_300, %broadcast_in_dim3A_320, %broadcast_in_dim3A_340 in 1 : vector<256x1xf32>, vector<256x1xf32>, vector<256x1xf32>, vector<256x1xf32>, vector<256x1xf32>, vector<256x1xf32>, vector<256x1xf32>, vector<256x1xf32>, vector<256x1xf32>, vector<256x1xf32>, vector<256x1xf32>, vector<256x1xf32>, vector<256x1xf32>, vector<256x1xf32>, vector<256x1xf32>, vector<256x1xf32> -> vector<256x16xf32>
    %convert_element_type3A_345 = arith.fptosi %concatenate3A : vector<256x16xf32> to vector<256x16xi32>
    %concatenate3A_346 = tpu.concatenate %sqrt3A, %sqrt3A_69, %sqrt3A_89, %sqrt3A_109, %sqrt3A_129, %sqrt3A_149, %sqrt3A_169, %sqrt3A_189, %sqrt3A_209, %sqrt3A_229, %sqrt3A_249, %sqrt3A_269, %sqrt3A_289, %sqrt3A_309, %sqrt3A_329, %sqrt3A_344 in 1 : vector<256x1xf32>, vector<256x1xf32>, vector<256x1xf32>, vector<256x1xf32>, vector<256x1xf32>, vector<256x1xf32>, vector<256x1xf32>, vector<256x1xf32>, vector<256x1xf32>, vector<256x1xf32>, vector<256x1xf32>, vector<256x1xf32>, vector<256x1xf32>, vector<256x1xf32>, vector<256x1xf32>, vector<256x1xf32> -> vector<256x16xf32>
    %mul3A_347 = arith.constant 2048 : i32
    %mul3A_348 = arith.muli %arg0, %mul3A_347 : i32
    %add3A_349 = vector.broadcast %mul3A_348 : i32 to vector<256x16xi32>
    %add3A_350 = arith.addi %convert_element_type3A_345, %add3A_349 : vector<256x16xi32>
    %swap3A = arith.constant 0 : index
    %swap3A_351 = arith.constant 0 : index
    %swap3A_352 = arith.constant 0 : index
    %swap3A_353 = vector.load %arg4[%swap3A, %swap3A_351, %swap3A_352] : memref<1x256x16xi32, #tpu.memory_space<vmem>>, vector<1x256x16xi32>
    %swap3A_354 = vector.shape_cast %swap3A_353 : vector<1x256x16xi32> to vector<256x16xi32>
    %swap3A_355 = vector.shape_cast %add3A_350 : vector<256x16xi32> to vector<1x256x16xi32>
    tpu.vector_store %arg4[%swap3A, %swap3A_351, %swap3A_352], %swap3A_355 {strides = array<i32>} : memref<1x256x16xi32, #tpu.memory_space<vmem>>, vector<1x256x16xi32>,
    %swap3A_356 = arith.constant 0 : index
    %swap3A_357 = arith.constant 0 : index
    %swap3A_358 = arith.constant 0 : index
    %swap3A_359 = vector.load %arg5[%swap3A_356, %swap3A_357, %swap3A_358] : memref<1x256x16xf32, #tpu.memory_space<vmem>>, vector<1x256x16xf32>
    %swap3A_360 = vector.shape_cast %swap3A_359 : vector<1x256x16xf32> to vector<256x16xf32>
    %swap3A_361 = vector.shape_cast %concatenate3A_346 : vector<256x16xf32> to vector<1x256x16xf32>
    tpu.vector_store %arg5[%swap3A_356, %swap3A_357, %swap3A_358], %swap3A_361 {strides = array<i32>} : memref<1x256x16xf32, #tpu.memory_space<vmem>>, vector<1x256x16xf32>,
    %iota3A_362 = tpu.iota {dimensions = array<i32: 1>} : vector<1x128xi32>
    %convert_element_type3A_363 = arith.truncf %concatenate3A_346 : vector<256x16xf32> to vector<256x16xbf16>
    %convert_element_type3A_364 = arith.extf %convert_element_type3A_363 : vector<256x16xbf16> to vector<256x16xf32>
    %reduce_sum3A = vector.shape_cast %convert_element_type3A_364 : vector<256x16xf32> to vector<1x256x16xf32>
    %reduce_sum3A_365 = arith.constant dense<0.000000e+00> : vector<1xf32>
    %reduce_sum3A_366 = vector.multi_reduction <add>, %reduce_sum3A, %reduce_sum3A_365 [1, 2] : vector<1x256x16xf32> to vector<1xf32>
    %reduce_sum3A_367 = vector.shape_cast %reduce_sum3A_366 : vector<1xf32> to vector<1x1x1xf32>
    %reduce_sum3A_368 = vector.extract %reduce_sum3A_367[0, 0, 0] : f32 from vector<1x1x1xf32>
    %mul3A_369 = arith.mulf %convert_element_type3A_364, %convert_element_type3A_364 : vector<256x16xf32>
    %reduce_sum3A_370 = vector.shape_cast %mul3A_369 : vector<256x16xf32> to vector<1x256x16xf32>
    %reduce_sum3A_371 = arith.constant dense<0.000000e+00> : vector<1xf32>
    %reduce_sum3A_372 = vector.multi_reduction <add>, %reduce_sum3A_370, %reduce_sum3A_371 [1, 2] : vector<1x256x16xf32> to vector<1xf32>
    %reduce_sum3A_373 = vector.shape_cast %reduce_sum3A_372 : vector<1xf32> to vector<1x1x1xf32>
    %reduce_sum3A_374 = vector.extract %reduce_sum3A_373[0, 0, 0] : f32 from vector<1x1x1xf32>
    %eq3A_375 = arith.constant 0 : i32
    %eq3A_376 = vector.broadcast %eq3A_375 : i32 to vector<1x128xi32>
    %eq3A_377 = arith.cmpi eq, %iota3A_362, %eq3A_376 : vector<1x128xi32>
    %jit3A_378 = arith.constant 0.000000e+00 : f32
    %broadcast_in_dim3A_379 = vector.broadcast %reduce_sum3A_368 : f32 to vector<1x128xf32>
    %broadcast_in_dim3A_380 = vector.broadcast %jit3A_378 : f32 to vector<1x128xf32>
    %select_n3A_381 = arith.select %eq3A_377, %broadcast_in_dim3A_379, %broadcast_in_dim3A_380 : vector<1x128xi1>, vector<1x128xf32>
    %eq3A_382 = arith.constant 1 : i32
    %eq3A_383 = vector.broadcast %eq3A_382 : i32 to vector<1x128xi32>
    %eq3A_384 = arith.cmpi eq, %iota3A_362, %eq3A_383 : vector<1x128xi32>
    %jit3A_385 = arith.constant 0.000000e+00 : f32
    %broadcast_in_dim3A_386 = vector.broadcast %reduce_sum3A_374 : f32 to vector<1x128xf32>
    %broadcast_in_dim3A_387 = vector.broadcast %jit3A_385 : f32 to vector<1x128xf32>
    %select_n3A_388 = arith.select %eq3A_384, %broadcast_in_dim3A_386, %broadcast_in_dim3A_387 : vector<1x128xi1>, vector<1x128xf32>
    %add3A_389 = arith.addf %select_n3A_381, %select_n3A_388 : vector<1x128xf32>
    %eq3A_390 = arith.constant 0 : i32
    %eq3A_391 = arith.cmpi eq, %arg0, %eq3A_390 : i32
    %eq3A_392 = arith.constant 0 : i32
    %eq3A_393 = arith.cmpi eq, %arg1, %eq3A_392 : i32
    %and3A = arith.andi %eq3A_391, %eq3A_393 : i1
    %convert_element_type3A_394 = arith.extui %and3A : i1 to i32
    %cond3A = arith.constant 0 : i32
    %cond3A_395 = arith.cmpi ne, %convert_element_type3A_394, %cond3A : i32
    scf.if %cond3A_395 {
      %broadcast_in_dim3A_403 = arith.constant 0.000000e+00 : f32
      %broadcast_in_dim3A_404 = vector.broadcast %broadcast_in_dim3A_403 : f32 to vector<1x128xf32>
      %swap3A_405 = arith.constant 0 : index
      %swap3A_406 = arith.constant 0 : index
      %swap3A_407 = vector.load %arg6[%swap3A_405, %swap3A_406] : memref<1x128xf32, #tpu.memory_space<vmem>>, vector<1x128xf32>
      tpu.vector_store %arg6[%swap3A_405, %swap3A_406], %broadcast_in_dim3A_404 {strides = array<i32>} : memref<1x128xf32, #tpu.memory_space<vmem>>, vector<1x128xf32>,
    } else {
    }
    %get3A_396 = arith.constant 0 : index
    %get3A_397 = arith.constant 0 : index
    %get3A_398 = vector.load %arg6[%get3A_396, %get3A_397] : memref<1x128xf32, #tpu.memory_space<vmem>>, vector<1x128xf32>
    %add3A_399 = arith.addf %get3A_398, %add3A_389 : vector<1x128xf32>
    %swap3A_400 = arith.constant 0 : index
    %swap3A_401 = arith.constant 0 : index
    %swap3A_402 = vector.load %arg6[%swap3A_400, %swap3A_401] : memref<1x128xf32, #tpu.memory_space<vmem>>, vector<1x128xf32>
    tpu.vector_store %arg6[%swap3A_400, %swap3A_401], %add3A_399 {strides = array<i32>} : memref<1x128xf32, #tpu.memory_space<vmem>>, vector<1x128xf32>,
    return
  }
  func.func @transform_0(%arg0: i32, %arg1: i32) -> (i32, i32, i32) {
    %c0_i32 = arith.constant 0 : i32
    %c0_i32_0 = arith.constant 0 : i32
    return %arg0, %arg1, %c0_i32 : i32, i32, i32
  }
  func.func @transform_1(%arg0: i32, %arg1: i32) -> (i32, i32, i32) {
    %c0_i32 = arith.constant 0 : i32
    %c0_i32_0 = arith.constant 0 : i32
    %c0_i32_1 = arith.constant 0 : i32
    return %arg0, %c0_i32, %c0_i32_0 : i32, i32, i32
  }
  func.func @transform_2(%arg0: i32, %arg1: i32) -> (i32, i32, i32) {
    %c0_i32 = arith.constant 0 : i32
    %c0_i32_0 = arith.constant 0 : i32
    return %arg0, %arg1, %c0_i32 : i32, i32, i32
  }
  func.func @transform_3(%arg0: i32, %arg1: i32) -> (i32, i32, i32) {
    %c0_i32 = arith.constant 0 : i32
    %c0_i32_0 = arith.constant 0 : i32
    return %arg0, %arg1, %c0_i32 : i32, i32, i32
  }
  func.func @transform_4(%arg0: i32, %arg1: i32) -> (i32, i32) {
    %c0_i32 = arith.constant 0 : i32
    %c0_i32_0 = arith.constant 0 : i32
    %c0_i32_1 = arith.constant 0 : i32
    return %c0_i32, %c0_i32_0 : i32, i32
  }
}

module attributes {stable_mosaic.version = 14 : i64} {
  func.func @_k3_body(%arg0: i32, %arg1: i32, %arg2: memref<1x512x16x128xf32, #tpu.memory_space<vmem>>, %arg3: memref<8192x1xf32, #tpu.memory_space<vmem>>, %arg4: memref<64x64xf32, #tpu.memory_space<vmem>>, %arg5: memref<1x64xf32, #tpu.memory_space<vmem>>, %arg6: memref<1x64xf32, #tpu.memory_space<vmem>>, %arg7: memref<1x64xf32, #tpu.memory_space<vmem>>, %arg8: memref<1x64xf32, #tpu.memory_space<vmem>>) attributes {dimension_semantics = [#tpu.dimension_semantics<arbitrary>, #tpu.dimension_semantics<arbitrary>], iteration_bounds = array<i64: 4, 16>, scalar_prefetch = 0 : i64, scratch_operands = 0 : i64, tpu.core_type = #tpu.core_type<tc>, window_params = [{transform_indices = @transform_0, window_bounds = array<i64: 1, 512, 16, 128>}, {transform_indices = @transform_1, window_bounds = array<i64: 8192, 1>}, {pipeline_mode = #tpu.pipeline_mode<synchronous>, transform_indices = @transform_2, window_bounds = array<i64: 64, 64>}, {pipeline_mode = #tpu.pipeline_mode<synchronous>, transform_indices = @transform_3, window_bounds = array<i64: 1, 64>}, {pipeline_mode = #tpu.pipeline_mode<synchronous>, transform_indices = @transform_4, window_bounds = array<i64: 1, 64>}, {pipeline_mode = #tpu.pipeline_mode<synchronous>, transform_indices = @transform_5, window_bounds = array<i64: 1, 64>}, {pipeline_mode = #tpu.pipeline_mode<synchronous>, transform_indices = @transform_6, window_bounds = array<i64: 1, 64>}]} {
    %get3A = arith.constant 0 : index
    %get3A_0 = arith.constant 0 : index
    %get3A_1 = arith.constant 0 : index
    %get3A_2 = arith.constant 0 : index
    %get3A_3 = vector.load %arg2[%get3A, %get3A_0, %get3A_1, %get3A_2] : memref<1x512x16x128xf32, #tpu.memory_space<vmem>>, vector<1x512x16x128xf32>
    %get3A_4 = vector.shape_cast %get3A_3 : vector<1x512x16x128xf32> to vector<512x16x128xf32>
    %slice3A = vector.extract_strided_slice %get3A_4 {offsets = [0, 0, 0], sizes = [512, 16, 64], strides = [1, 1, 1]} : vector<512x16x128xf32> to vector<512x16x64xf32>
    %reshape3A = vector.shape_cast %slice3A : vector<512x16x64xf32> to vector<8192x64xf32>
    %get3A_5 = arith.constant 0 : index
    %get3A_6 = arith.constant 0 : index
    %get3A_7 = vector.load %arg3[%get3A_5, %get3A_6] : memref<8192x1xf32, #tpu.memory_space<vmem>>, vector<8192x1xf32>
    %convert_element_type3A = arith.truncf %reshape3A : vector<8192x64xf32> to vector<8192x64xbf16>
    %get3A_8 = arith.constant 0 : index
    %get3A_9 = arith.constant 0 : index
    %get3A_10 = vector.load %arg4[%get3A_8, %get3A_9] : memref<64x64xf32, #tpu.memory_space<vmem>>, vector<64x64xf32>
    %convert_element_type3A_11 = arith.truncf %get3A_10 : vector<64x64xf32> to vector<64x64xbf16>
    %dot_general3A = arith.constant dense<0.000000e+00> : vector<8192x64xf32>
    %dot_general3A_12 = tpu.matmul %convert_element_type3A, %convert_element_type3A_11, %dot_general3A {dimension_numbers = #tpu.dot_dimension_numbers<[1], [0], [0], [1], [0, 0, 1, 1], [], []>, transpose_lhs_hint = false} : vector<8192x64xbf16>, vector<64x64xbf16>, vector<8192x64xf32> -> vector<8192x64xf32>
    %convert_element_type3A_13 = arith.truncf %get3A_7 : vector<8192x1xf32> to vector<8192x1xbf16>
    %convert_element_type3A_14 = arith.extf %convert_element_type3A_13 : vector<8192x1xbf16> to vector<8192x1xf32>
    %get3A_15 = arith.constant 0 : index
    %get3A_16 = arith.constant 0 : index
    %get3A_17 = vector.load %arg5[%get3A_15, %get3A_16] : memref<1x64xf32, #tpu.memory_space<vmem>>, vector<1x64xf32>
    %convert_element_type3A_18 = arith.truncf %get3A_17 : vector<1x64xf32> to vector<1x64xbf16>
    %convert_element_type3A_19 = arith.extf %convert_element_type3A_18 : vector<1x64xbf16> to vector<1x64xf32>
    %mul3A = vector.broadcast %convert_element_type3A_14 : vector<8192x1xf32> to vector<8192x64xf32>
    %mul3A_20 = vector.broadcast %convert_element_type3A_19 : vector<1x64xf32> to vector<8192x64xf32>
    %mul3A_21 = arith.mulf %mul3A, %mul3A_20 : vector<8192x64xf32>
    %add3A = arith.addf %dot_general3A_12, %mul3A_21 : vector<8192x64xf32>
    %get3A_22 = arith.constant 0 : index
    %get3A_23 = arith.constant 0 : index
    %get3A_24 = vector.load %arg6[%get3A_22, %get3A_23] : memref<1x64xf32, #tpu.memory_space<vmem>>, vector<1x64xf32>
    %add3A_25 = vector.broadcast %get3A_24 : vector<1x64xf32> to vector<8192x64xf32>
    %add3A_26 = arith.addf %add3A, %add3A_25 : vector<8192x64xf32>
    %eq3A = arith.constant 0 : i32
    %eq3A_27 = arith.cmpi eq, %arg0, %eq3A : i32
    %eq3A_28 = arith.constant 0 : i32
    %eq3A_29 = arith.cmpi eq, %arg1, %eq3A_28 : i32
    %and3A = arith.andi %eq3A_27, %eq3A_29 : i1
    %convert_element_type3A_30 = arith.extui %and3A : i1 to i32
    %cond3A = arith.constant 0 : i32
    %cond3A_31 = arith.cmpi ne, %convert_element_type3A_30, %cond3A : i32
    scf.if %cond3A_31 {
      %broadcast_in_dim3A_50 = arith.constant 0.000000e+00 : f32
      %broadcast_in_dim3A_51 = vector.broadcast %broadcast_in_dim3A_50 : f32 to vector<1x64xf32>
      %swap3A_52 = arith.constant 0 : index
      %swap3A_53 = arith.constant 0 : index
      %swap3A_54 = vector.load %arg7[%swap3A_52, %swap3A_53] : memref<1x64xf32, #tpu.memory_space<vmem>>, vector<1x64xf32>
      tpu.vector_store %arg7[%swap3A_52, %swap3A_53], %broadcast_in_dim3A_51 {strides = array<i32>} : memref<1x64xf32, #tpu.memory_space<vmem>>, vector<1x64xf32>,
      %broadcast_in_dim3A_55 = arith.constant 0.000000e+00 : f32
      %broadcast_in_dim3A_56 = vector.broadcast %broadcast_in_dim3A_55 : f32 to vector<1x64xf32>
      %swap3A_57 = arith.constant 0 : index
      %swap3A_58 = arith.constant 0 : index
      %swap3A_59 = vector.load %arg8[%swap3A_57, %swap3A_58] : memref<1x64xf32, #tpu.memory_space<vmem>>, vector<1x64xf32>
      tpu.vector_store %arg8[%swap3A_57, %swap3A_58], %broadcast_in_dim3A_56 {strides = array<i32>} : memref<1x64xf32, #tpu.memory_space<vmem>>, vector<1x64xf32>,
    } else {
    }
    %get3A_32 = arith.constant 0 : index
    %get3A_33 = arith.constant 0 : index
    %get3A_34 = vector.load %arg7[%get3A_32, %get3A_33] : memref<1x64xf32, #tpu.memory_space<vmem>>, vector<1x64xf32>
    %reduce_sum3A = arith.constant dense<0.000000e+00> : vector<64xf32>
    %reduce_sum3A_35 = vector.multi_reduction <add>, %add3A_26, %reduce_sum3A [0] : vector<8192x64xf32> to vector<64xf32>
    %broadcast_in_dim3A = vector.shape_cast %reduce_sum3A_35 : vector<64xf32> to vector<1x64xf32>
    %add3A_36 = arith.addf %get3A_34, %broadcast_in_dim3A : vector<1x64xf32>
    %swap3A = arith.constant 0 : index
    %swap3A_37 = arith.constant 0 : index
    %swap3A_38 = vector.load %arg7[%swap3A, %swap3A_37] : memref<1x64xf32, #tpu.memory_space<vmem>>, vector<1x64xf32>
    tpu.vector_store %arg7[%swap3A, %swap3A_37], %add3A_36 {strides = array<i32>} : memref<1x64xf32, #tpu.memory_space<vmem>>, vector<1x64xf32>,
    %get3A_39 = arith.constant 0 : index
    %get3A_40 = arith.constant 0 : index
    %get3A_41 = vector.load %arg8[%get3A_39, %get3A_40] : memref<1x64xf32, #tpu.memory_space<vmem>>, vector<1x64xf32>
    %mul3A_42 = arith.mulf %add3A_26, %add3A_26 : vector<8192x64xf32>
    %reduce_sum3A_43 = arith.constant dense<0.000000e+00> : vector<64xf32>
    %reduce_sum3A_44 = vector.multi_reduction <add>, %mul3A_42, %reduce_sum3A_43 [0] : vector<8192x64xf32> to vector<64xf32>
    %broadcast_in_dim3A_45 = vector.shape_cast %reduce_sum3A_44 : vector<64xf32> to vector<1x64xf32>
    %add3A_46 = arith.addf %get3A_41, %broadcast_in_dim3A_45 : vector<1x64xf32>
    %swap3A_47 = arith.constant 0 : index
    %swap3A_48 = arith.constant 0 : index
    %swap3A_49 = vector.load %arg8[%swap3A_47, %swap3A_48] : memref<1x64xf32, #tpu.memory_space<vmem>>, vector<1x64xf32>
    tpu.vector_store %arg8[%swap3A_47, %swap3A_48], %add3A_46 {strides = array<i32>} : memref<1x64xf32, #tpu.memory_space<vmem>>, vector<1x64xf32>,
    return
  }
  func.func @transform_0(%arg0: i32, %arg1: i32) -> (i32, i32, i32, i32) {
    %c0_i32 = arith.constant 0 : i32
    %c0_i32_0 = arith.constant 0 : i32
    %c0_i32_1 = arith.constant 0 : i32
    return %arg0, %arg1, %c0_i32, %c0_i32_0 : i32, i32, i32, i32
  }
  func.func @transform_1(%arg0: i32, %arg1: i32) -> (i32, i32) {
    %mul3A = arith.constant 16 : i32
    %mul3A_0 = arith.muli %arg0, %mul3A : i32
    %add3A = arith.addi %mul3A_0, %arg1 : i32
    %c0_i32 = arith.constant 0 : i32
    %c0_i32_1 = arith.constant 0 : i32
    return %add3A, %c0_i32 : i32, i32
  }
  func.func @transform_2(%arg0: i32, %arg1: i32) -> (i32, i32) {
    %c0_i32 = arith.constant 0 : i32
    %c0_i32_0 = arith.constant 0 : i32
    %c0_i32_1 = arith.constant 0 : i32
    return %c0_i32, %c0_i32_0 : i32, i32
  }
  func.func @transform_3(%arg0: i32, %arg1: i32) -> (i32, i32) {
    %c0_i32 = arith.constant 0 : i32
    %c0_i32_0 = arith.constant 0 : i32
    %c0_i32_1 = arith.constant 0 : i32
    return %c0_i32, %c0_i32_0 : i32, i32
  }
  func.func @transform_4(%arg0: i32, %arg1: i32) -> (i32, i32) {
    %c0_i32 = arith.constant 0 : i32
    %c0_i32_0 = arith.constant 0 : i32
    %c0_i32_1 = arith.constant 0 : i32
    return %c0_i32, %c0_i32_0 : i32, i32
  }
  func.func @transform_5(%arg0: i32, %arg1: i32) -> (i32, i32) {
    %c0_i32 = arith.constant 0 : i32
    %c0_i32_0 = arith.constant 0 : i32
    %c0_i32_1 = arith.constant 0 : i32
    return %c0_i32, %c0_i32_0 : i32, i32
  }
  func.func @transform_6(%arg0: i32, %arg1: i32) -> (i32, i32) {
    %c0_i32 = arith.constant 0 : i32
    %c0_i32_0 = arith.constant 0 : i32
    %c0_i32_1 = arith.constant 0 : i32
    return %c0_i32, %c0_i32_0 : i32, i32
  }
}

module attributes {stable_mosaic.version = 14 : i64} {
  func.func @_mstats_body(%arg0: memref<1x64xf32, #tpu.memory_space<vmem>>, %arg1: memref<1x64xf32, #tpu.memory_space<vmem>>, %arg2: memref<1x64xf32, #tpu.memory_space<vmem>>, %arg3: memref<1x64xf32, #tpu.memory_space<vmem>>, %arg4: memref<1x64xf32, #tpu.memory_space<vmem>>, %arg5: memref<1x64xf32, #tpu.memory_space<vmem>>) attributes {dimension_semantics = [], scalar_prefetch = 0 : i64, scratch_operands = 0 : i64, tpu.core_type = #tpu.core_type<tc>} {
    %get3A = arith.constant 0 : index
    %get3A_0 = arith.constant 0 : index
    %get3A_1 = vector.load %arg0[%get3A, %get3A_0] : memref<1x64xf32, #tpu.memory_space<vmem>>, vector<1x64xf32>
    %div3A = arith.constant 5.242880e+05 : f32
    %div3A_2 = vector.broadcast %div3A : f32 to vector<1x64xf32>
    %div3A_3 = arith.divf %get3A_1, %div3A_2 : vector<1x64xf32>
    %get3A_4 = arith.constant 0 : index
    %get3A_5 = arith.constant 0 : index
    %get3A_6 = vector.load %arg1[%get3A_4, %get3A_5] : memref<1x64xf32, #tpu.memory_space<vmem>>, vector<1x64xf32>
    %div3A_7 = arith.constant 5.242880e+05 : f32
    %div3A_8 = vector.broadcast %div3A_7 : f32 to vector<1x64xf32>
    %div3A_9 = arith.divf %get3A_6, %div3A_8 : vector<1x64xf32>
    %mul3A = arith.mulf %div3A_3, %div3A_3 : vector<1x64xf32>
    %sub3A = arith.subf %div3A_9, %mul3A : vector<1x64xf32>
    %get3A_10 = arith.constant 0 : index
    %get3A_11 = arith.constant 0 : index
    %get3A_12 = vector.load %arg2[%get3A_10, %get3A_11] : memref<1x64xf32, #tpu.memory_space<vmem>>, vector<1x64xf32>
    %add3A = arith.constant 9.99999974E-6 : f32
    %add3A_13 = vector.broadcast %add3A : f32 to vector<1x64xf32>
    %add3A_14 = arith.addf %sub3A, %add3A_13 : vector<1x64xf32>
    %rsqrt3A = math.rsqrt %add3A_14 : vector<1x64xf32>
    %mul3A_15 = arith.mulf %get3A_12, %rsqrt3A : vector<1x64xf32>
    %swap3A = arith.constant 0 : index
    %swap3A_16 = arith.constant 0 : index
    %swap3A_17 = vector.load %arg4[%swap3A, %swap3A_16] : memref<1x64xf32, #tpu.memory_space<vmem>>, vector<1x64xf32>
    tpu.vector_store %arg4[%swap3A, %swap3A_16], %mul3A_15 {strides = array<i32>} : memref<1x64xf32, #tpu.memory_space<vmem>>, vector<1x64xf32>,
    %get3A_18 = arith.constant 0 : index
    %get3A_19 = arith.constant 0 : index
    %get3A_20 = vector.load %arg3[%get3A_18, %get3A_19] : memref<1x64xf32, #tpu.memory_space<vmem>>, vector<1x64xf32>
    %mul3A_21 = arith.mulf %mul3A_15, %div3A_3 : vector<1x64xf32>
    %sub3A_22 = arith.subf %get3A_20, %mul3A_21 : vector<1x64xf32>
    %swap3A_23 = arith.constant 0 : index
    %swap3A_24 = arith.constant 0 : index
    %swap3A_25 = vector.load %arg5[%swap3A_23, %swap3A_24] : memref<1x64xf32, #tpu.memory_space<vmem>>, vector<1x64xf32>
    tpu.vector_store %arg5[%swap3A_23, %swap3A_24], %sub3A_22 {strides = array<i32>} : memref<1x64xf32, #tpu.memory_space<vmem>>, vector<1x64xf32>,
    return
  }
}

module attributes {stable_mosaic.version = 14 : i64} {
  func.func @_k4_body(%arg0: i32, %arg1: i32, %arg2: memref<1x512x16x128xf32, #tpu.memory_space<vmem>>, %arg3: memref<8192x1xf32, #tpu.memory_space<vmem>>, %arg4: memref<1x64xf32, #tpu.memory_space<vmem>>, %arg5: memref<1x64xf32, #tpu.memory_space<vmem>>, %arg6: memref<64x64xf32, #tpu.memory_space<vmem>>, %arg7: memref<1x64xf32, #tpu.memory_space<vmem>>, %arg8: memref<1x64xf32, #tpu.memory_space<vmem>>, %arg9: memref<64x64xf32, #tpu.memory_space<vmem>>, %arg10: memref<1x64xf32, #tpu.memory_space<vmem>>, %arg11: memref<1x64xf32, #tpu.memory_space<vmem>>, %arg12: memref<1x64xf32, #tpu.memory_space<vmem>>) attributes {dimension_semantics = [#tpu.dimension_semantics<arbitrary>, #tpu.dimension_semantics<arbitrary>], iteration_bounds = array<i64: 4, 16>, scalar_prefetch = 0 : i64, scratch_operands = 0 : i64, tpu.core_type = #tpu.core_type<tc>, window_params = [{transform_indices = @transform_0, window_bounds = array<i64: 1, 512, 16, 128>}, {transform_indices = @transform_1, window_bounds = array<i64: 8192, 1>}, {pipeline_mode = #tpu.pipeline_mode<synchronous>, transform_indices = @transform_2, window_bounds = array<i64: 1, 64>}, {pipeline_mode = #tpu.pipeline_mode<synchronous>, transform_indices = @transform_3, window_bounds = array<i64: 1, 64>}, {pipeline_mode = #tpu.pipeline_mode<synchronous>, transform_indices = @transform_4, window_bounds = array<i64: 64, 64>}, {pipeline_mode = #tpu.pipeline_mode<synchronous>, transform_indices = @transform_5, window_bounds = array<i64: 1, 64>}, {pipeline_mode = #tpu.pipeline_mode<synchronous>, transform_indices = @transform_6, window_bounds = array<i64: 1, 64>}, {pipeline_mode = #tpu.pipeline_mode<synchronous>, transform_indices = @transform_7, window_bounds = array<i64: 64, 64>}, {pipeline_mode = #tpu.pipeline_mode<synchronous>, transform_indices = @transform_8, window_bounds = array<i64: 1, 64>}, {pipeline_mode = #tpu.pipeline_mode<synchronous>, transform_indices = @transform_9, window_bounds = array<i64: 1, 64>}, {pipeline_mode = #tpu.pipeline_mode<synchronous>, transform_indices = @transform_10, window_bounds = array<i64: 1, 64>}]} {
    %get3A = arith.constant 0 : index
    %get3A_0 = arith.constant 0 : index
    %get3A_1 = arith.constant 0 : index
    %get3A_2 = arith.constant 0 : index
    %get3A_3 = vector.load %arg2[%get3A, %get3A_0, %get3A_1, %get3A_2] : memref<1x512x16x128xf32, #tpu.memory_space<vmem>>, vector<1x512x16x128xf32>
    %get3A_4 = vector.shape_cast %get3A_3 : vector<1x512x16x128xf32> to vector<512x16x128xf32>
    %slice3A = vector.extract_strided_slice %get3A_4 {offsets = [0, 0, 0], sizes = [512, 16, 64], strides = [1, 1, 1]} : vector<512x16x128xf32> to vector<512x16x64xf32>
    %reshape3A = vector.shape_cast %slice3A : vector<512x16x64xf32> to vector<8192x64xf32>
    %get3A_5 = arith.constant 0 : index
    %get3A_6 = arith.constant 0 : index
    %get3A_7 = vector.load %arg3[%get3A_5, %get3A_6] : memref<8192x1xf32, #tpu.memory_space<vmem>>, vector<8192x1xf32>
    %convert_element_type3A = arith.truncf %reshape3A : vector<8192x64xf32> to vector<8192x64xbf16>
    %get3A_8 = arith.constant 0 : index
    %get3A_9 = arith.constant 0 : index
    %get3A_10 = vector.load %arg6[%get3A_8, %get3A_9] : memref<64x64xf32, #tpu.memory_space<vmem>>, vector<64x64xf32>
    %convert_element_type3A_11 = arith.truncf %get3A_10 : vector<64x64xf32> to vector<64x64xbf16>
    %dot_general3A = arith.constant dense<0.000000e+00> : vector<8192x64xf32>
    %dot_general3A_12 = tpu.matmul %convert_element_type3A, %convert_element_type3A_11, %dot_general3A {dimension_numbers = #tpu.dot_dimension_numbers<[1], [0], [0], [1], [0, 0, 1, 1], [], []>, transpose_lhs_hint = false} : vector<8192x64xbf16>, vector<64x64xbf16>, vector<8192x64xf32> -> vector<8192x64xf32>
    %convert_element_type3A_13 = arith.truncf %get3A_7 : vector<8192x1xf32> to vector<8192x1xbf16>
    %convert_element_type3A_14 = arith.extf %convert_element_type3A_13 : vector<8192x1xbf16> to vector<8192x1xf32>
    %get3A_15 = arith.constant 0 : index
    %get3A_16 = arith.constant 0 : index
    %get3A_17 = vector.load %arg7[%get3A_15, %get3A_16] : memref<1x64xf32, #tpu.memory_space<vmem>>, vector<1x64xf32>
    %convert_element_type3A_18 = arith.truncf %get3A_17 : vector<1x64xf32> to vector<1x64xbf16>
    %convert_element_type3A_19 = arith.extf %convert_element_type3A_18 : vector<1x64xbf16> to vector<1x64xf32>
    %mul3A = vector.broadcast %convert_element_type3A_14 : vector<8192x1xf32> to vector<8192x64xf32>
    %mul3A_20 = vector.broadcast %convert_element_type3A_19 : vector<1x64xf32> to vector<8192x64xf32>
    %mul3A_21 = arith.mulf %mul3A, %mul3A_20 : vector<8192x64xf32>
    %add3A = arith.addf %dot_general3A_12, %mul3A_21 : vector<8192x64xf32>
    %get3A_22 = arith.constant 0 : index
    %get3A_23 = arith.constant 0 : index
    %get3A_24 = vector.load %arg8[%get3A_22, %get3A_23] : memref<1x64xf32, #tpu.memory_space<vmem>>, vector<1x64xf32>
    %add3A_25 = vector.broadcast %get3A_24 : vector<1x64xf32> to vector<8192x64xf32>
    %add3A_26 = arith.addf %add3A, %add3A_25 : vector<8192x64xf32>
    %get3A_27 = arith.constant 0 : index
    %get3A_28 = arith.constant 0 : index
    %get3A_29 = vector.load %arg4[%get3A_27, %get3A_28] : memref<1x64xf32, #tpu.memory_space<vmem>>, vector<1x64xf32>
    %mul3A_30 = vector.broadcast %get3A_29 : vector<1x64xf32> to vector<8192x64xf32>
    %mul3A_31 = arith.mulf %add3A_26, %mul3A_30 : vector<8192x64xf32>
    %get3A_32 = arith.constant 0 : index
    %get3A_33 = arith.constant 0 : index
    %get3A_34 = vector.load %arg5[%get3A_32, %get3A_33] : memref<1x64xf32, #tpu.memory_space<vmem>>, vector<1x64xf32>
    %add3A_35 = vector.broadcast %get3A_34 : vector<1x64xf32> to vector<8192x64xf32>
    %add3A_36 = arith.addf %mul3A_31, %add3A_35 : vector<8192x64xf32>
    %ge3A = arith.constant 0.000000e+00 : f32
    %ge3A_37 = vector.broadcast %ge3A : f32 to vector<8192x64xf32>
    %ge3A_38 = arith.cmpf oge, %add3A_36, %ge3A_37 : vector<8192x64xf32>
    %mul3A_39 = arith.constant 2.000000e-01 : f32
    %mul3A_40 = vector.broadcast %mul3A_39 : f32 to vector<8192x64xf32>
    %mul3A_41 = arith.mulf %mul3A_40, %add3A_36 : vector<8192x64xf32>
    %select_n3A = arith.select %ge3A_38, %add3A_36, %mul3A_41 : vector<8192x64xi1>, vector<8192x64xf32>
    %convert_element_type3A_42 = arith.truncf %select_n3A : vector<8192x64xf32> to vector<8192x64xbf16>
    %get3A_43 = arith.constant 0 : index
    %get3A_44 = arith.constant 0 : index
    %get3A_45 = vector.load %arg9[%get3A_43, %get3A_44] : memref<64x64xf32, #tpu.memory_space<vmem>>, vector<64x64xf32>
    %convert_element_type3A_46 = arith.truncf %get3A_45 : vector<64x64xf32> to vector<64x64xbf16>
    %dot_general3A_47 = arith.constant dense<0.000000e+00> : vector<8192x64xf32>
    %dot_general3A_48 = tpu.matmul %convert_element_type3A_42, %convert_element_type3A_46, %dot_general3A_47 {dimension_numbers = #tpu.dot_dimension_numbers<[1], [0], [0], [1], [0, 0, 1, 1], [], []>, transpose_lhs_hint = false} : vector<8192x64xbf16>, vector<64x64xbf16>, vector<8192x64xf32> -> vector<8192x64xf32>
    %get3A_49 = arith.constant 0 : index
    %get3A_50 = arith.constant 0 : index
    %get3A_51 = vector.load %arg10[%get3A_49, %get3A_50] : memref<1x64xf32, #tpu.memory_space<vmem>>, vector<1x64xf32>
    %add3A_52 = vector.broadcast %get3A_51 : vector<1x64xf32> to vector<8192x64xf32>
    %add3A_53 = arith.addf %dot_general3A_48, %add3A_52 : vector<8192x64xf32>
    %eq3A = arith.constant 0 : i32
    %eq3A_54 = arith.cmpi eq, %arg0, %eq3A : i32
    %eq3A_55 = arith.constant 0 : i32
    %eq3A_56 = arith.cmpi eq, %arg1, %eq3A_55 : i32
    %and3A = arith.andi %eq3A_54, %eq3A_56 : i1
    %convert_element_type3A_57 = arith.extui %and3A : i1 to i32
    %cond3A = arith.constant 0 : i32
    %cond3A_58 = arith.cmpi ne, %convert_element_type3A_57, %cond3A : i32
    scf.if %cond3A_58 {
      %broadcast_in_dim3A_77 = arith.constant 0.000000e+00 : f32
      %broadcast_in_dim3A_78 = vector.broadcast %broadcast_in_dim3A_77 : f32 to vector<1x64xf32>
      %swap3A_79 = arith.constant 0 : index
      %swap3A_80 = arith.constant 0 : index
      %swap3A_81 = vector.load %arg11[%swap3A_79, %swap3A_80] : memref<1x64xf32, #tpu.memory_space<vmem>>, vector<1x64xf32>
      tpu.vector_store %arg11[%swap3A_79, %swap3A_80], %broadcast_in_dim3A_78 {strides = array<i32>} : memref<1x64xf32, #tpu.memory_space<vmem>>, vector<1x64xf32>,
      %broadcast_in_dim3A_82 = arith.constant 0.000000e+00 : f32
      %broadcast_in_dim3A_83 = vector.broadcast %broadcast_in_dim3A_82 : f32 to vector<1x64xf32>
      %swap3A_84 = arith.constant 0 : index
      %swap3A_85 = arith.constant 0 : index
      %swap3A_86 = vector.load %arg12[%swap3A_84, %swap3A_85] : memref<1x64xf32, #tpu.memory_space<vmem>>, vector<1x64xf32>
      tpu.vector_store %arg12[%swap3A_84, %swap3A_85], %broadcast_in_dim3A_83 {strides = array<i32>} : memref<1x64xf32, #tpu.memory_space<vmem>>, vector<1x64xf32>,
    } else {
    }
    %get3A_59 = arith.constant 0 : index
    %get3A_60 = arith.constant 0 : index
    %get3A_61 = vector.load %arg11[%get3A_59, %get3A_60] : memref<1x64xf32, #tpu.memory_space<vmem>>, vector<1x64xf32>
    %reduce_sum3A = arith.constant dense<0.000000e+00> : vector<64xf32>
    %reduce_sum3A_62 = vector.multi_reduction <add>, %add3A_53, %reduce_sum3A [0] : vector<8192x64xf32> to vector<64xf32>
    %broadcast_in_dim3A = vector.shape_cast %reduce_sum3A_62 : vector<64xf32> to vector<1x64xf32>
    %add3A_63 = arith.addf %get3A_61, %broadcast_in_dim3A : vector<1x64xf32>
    %swap3A = arith.constant 0 : index
    %swap3A_64 = arith.constant 0 : index
    %swap3A_65 = vector.load %arg11[%swap3A, %swap3A_64] : memref<1x64xf32, #tpu.memory_space<vmem>>, vector<1x64xf32>
    tpu.vector_store %arg11[%swap3A, %swap3A_64], %add3A_63 {strides = array<i32>} : memref<1x64xf32, #tpu.memory_space<vmem>>, vector<1x64xf32>,
    %get3A_66 = arith.constant 0 : index
    %get3A_67 = arith.constant 0 : index
    %get3A_68 = vector.load %arg12[%get3A_66, %get3A_67] : memref<1x64xf32, #tpu.memory_space<vmem>>, vector<1x64xf32>
    %mul3A_69 = arith.mulf %add3A_53, %add3A_53 : vector<8192x64xf32>
    %reduce_sum3A_70 = arith.constant dense<0.000000e+00> : vector<64xf32>
    %reduce_sum3A_71 = vector.multi_reduction <add>, %mul3A_69, %reduce_sum3A_70 [0] : vector<8192x64xf32> to vector<64xf32>
    %broadcast_in_dim3A_72 = vector.shape_cast %reduce_sum3A_71 : vector<64xf32> to vector<1x64xf32>
    %add3A_73 = arith.addf %get3A_68, %broadcast_in_dim3A_72 : vector<1x64xf32>
    %swap3A_74 = arith.constant 0 : index
    %swap3A_75 = arith.constant 0 : index
    %swap3A_76 = vector.load %arg12[%swap3A_74, %swap3A_75] : memref<1x64xf32, #tpu.memory_space<vmem>>, vector<1x64xf32>
    tpu.vector_store %arg12[%swap3A_74, %swap3A_75], %add3A_73 {strides = array<i32>} : memref<1x64xf32, #tpu.memory_space<vmem>>, vector<1x64xf32>,
    return
  }
  func.func @transform_0(%arg0: i32, %arg1: i32) -> (i32, i32, i32, i32) {
    %c0_i32 = arith.constant 0 : i32
    %c0_i32_0 = arith.constant 0 : i32
    %c0_i32_1 = arith.constant 0 : i32
    return %arg0, %arg1, %c0_i32, %c0_i32_0 : i32, i32, i32, i32
  }
  func.func @transform_1(%arg0: i32, %arg1: i32) -> (i32, i32) {
    %mul3A = arith.constant 16 : i32
    %mul3A_0 = arith.muli %arg0, %mul3A : i32
    %add3A = arith.addi %mul3A_0, %arg1 : i32
    %c0_i32 = arith.constant 0 : i32
    %c0_i32_1 = arith.constant 0 : i32
    return %add3A, %c0_i32 : i32, i32
  }
  func.func @transform_2(%arg0: i32, %arg1: i32) -> (i32, i32) {
    %c0_i32 = arith.constant 0 : i32
    %c0_i32_0 = arith.constant 0 : i32
    %c0_i32_1 = arith.constant 0 : i32
    return %c0_i32, %c0_i32_0 : i32, i32
  }
  func.func @transform_3(%arg0: i32, %arg1: i32) -> (i32, i32) {
    %c0_i32 = arith.constant 0 : i32
    %c0_i32_0 = arith.constant 0 : i32
    %c0_i32_1 = arith.constant 0 : i32
    return %c0_i32, %c0_i32_0 : i32, i32
  }
  func.func @transform_4(%arg0: i32, %arg1: i32) -> (i32, i32) {
    %c0_i32 = arith.constant 0 : i32
    %c0_i32_0 = arith.constant 0 : i32
    %c0_i32_1 = arith.constant 0 : i32
    return %c0_i32, %c0_i32_0 : i32, i32
  }
  func.func @transform_5(%arg0: i32, %arg1: i32) -> (i32, i32) {
    %c0_i32 = arith.constant 0 : i32
    %c0_i32_0 = arith.constant 0 : i32
    %c0_i32_1 = arith.constant 0 : i32
    return %c0_i32, %c0_i32_0 : i32, i32
  }
  func.func @transform_6(%arg0: i32, %arg1: i32) -> (i32, i32) {
    %c0_i32 = arith.constant 0 : i32
    %c0_i32_0 = arith.constant 0 : i32
    %c0_i32_1 = arith.constant 0 : i32
    return %c0_i32, %c0_i32_0 : i32, i32
  }
  func.func @transform_7(%arg0: i32, %arg1: i32) -> (i32, i32) {
    %c0_i32 = arith.constant 0 : i32
    %c0_i32_0 = arith.constant 0 : i32
    %c0_i32_1 = arith.constant 0 : i32
    return %c0_i32, %c0_i32_0 : i32, i32
  }
  func.func @transform_8(%arg0: i32, %arg1: i32) -> (i32, i32) {
    %c0_i32 = arith.constant 0 : i32
    %c0_i32_0 = arith.constant 0 : i32
    %c0_i32_1 = arith.constant 0 : i32
    return %c0_i32, %c0_i32_0 : i32, i32
  }
  func.func @transform_9(%arg0: i32, %arg1: i32) -> (i32, i32) {
    %c0_i32 = arith.constant 0 : i32
    %c0_i32_0 = arith.constant 0 : i32
    %c0_i32_1 = arith.constant 0 : i32
    return %c0_i32, %c0_i32_0 : i32, i32
  }
  func.func @transform_10(%arg0: i32, %arg1: i32) -> (i32, i32) {
    %c0_i32 = arith.constant 0 : i32
    %c0_i32_0 = arith.constant 0 : i32
    %c0_i32_1 = arith.constant 0 : i32
    return %c0_i32, %c0_i32_0 : i32, i32
  }
}

module attributes {stable_mosaic.version = 14 : i64} {
  func.func @_k5_body(%arg0: i32, %arg1: i32, %arg2: memref<1x512x16x128xf32, #tpu.memory_space<vmem>>, %arg3: memref<8192x1xf32, #tpu.memory_space<vmem>>, %arg4: memref<1x64xf32, #tpu.memory_space<vmem>>, %arg5: memref<1x64xf32, #tpu.memory_space<vmem>>, %arg6: memref<1x64xf32, #tpu.memory_space<vmem>>, %arg7: memref<1x64xf32, #tpu.memory_space<vmem>>, %arg8: memref<64x64xf32, #tpu.memory_space<vmem>>, %arg9: memref<1x64xf32, #tpu.memory_space<vmem>>, %arg10: memref<1x64xf32, #tpu.memory_space<vmem>>, %arg11: memref<64x64xf32, #tpu.memory_space<vmem>>, %arg12: memref<1x64xf32, #tpu.memory_space<vmem>>, %arg13: memref<128x64xf32, #tpu.memory_space<vmem>>, %arg14: memref<1x64xf32, #tpu.memory_space<vmem>>, %arg15: memref<1x512x128xf32, #tpu.memory_space<vmem>>, %arg16: memref<1x64xf32, #tpu.memory_space<vmem>>, %arg17: memref<1x64xf32, #tpu.memory_space<vmem>>) attributes {dimension_semantics = [#tpu.dimension_semantics<arbitrary>, #tpu.dimension_semantics<arbitrary>], iteration_bounds = array<i64: 4, 16>, scalar_prefetch = 0 : i64, scratch_operands = 0 : i64, tpu.core_type = #tpu.core_type<tc>, window_params = [{transform_indices = @transform_0, window_bounds = array<i64: 1, 512, 16, 128>}, {transform_indices = @transform_1, window_bounds = array<i64: 8192, 1>}, {pipeline_mode = #tpu.pipeline_mode<synchronous>, transform_indices = @transform_2, window_bounds = array<i64: 1, 64>}, {pipeline_mode = #tpu.pipeline_mode<synchronous>, transform_indices = @transform_3, window_bounds = array<i64: 1, 64>}, {pipeline_mode = #tpu.pipeline_mode<synchronous>, transform_indices = @transform_4, window_bounds = array<i64: 1, 64>}, {pipeline_mode = #tpu.pipeline_mode<synchronous>, transform_indices = @transform_5, window_bounds = array<i64: 1, 64>}, {pipeline_mode = #tpu.pipeline_mode<synchronous>, transform_indices = @transform_6, window_bounds = array<i64: 64, 64>}, {pipeline_mode = #tpu.pipeline_mode<synchronous>, transform_indices = @transform_7, window_bounds = array<i64: 1, 64>}, {pipeline_mode = #tpu.pipeline_mode<synchronous>, transform_indices = @transform_8, window_bounds = array<i64: 1, 64>}, {pipeline_mode = #tpu.pipeline_mode<synchronous>, transform_indices = @transform_9, window_bounds = array<i64: 64, 64>}, {pipeline_mode = #tpu.pipeline_mode<synchronous>, transform_indices = @transform_10, window_bounds = array<i64: 1, 64>}, {pipeline_mode = #tpu.pipeline_mode<synchronous>, transform_indices = @transform_11, window_bounds = array<i64: 128, 64>}, {pipeline_mode = #tpu.pipeline_mode<synchronous>, transform_indices = @transform_12, window_bounds = array<i64: 1, 64>}, {transform_indices = @transform_13, window_bounds = array<i64: 1, 512, 128>}, {pipeline_mode = #tpu.pipeline_mode<synchronous>, transform_indices = @transform_14, window_bounds = array<i64: 1, 64>}, {pipeline_mode = #tpu.pipeline_mode<synchronous>, transform_indices = @transform_15, window_bounds = array<i64: 1, 64>}]} {
    %get3A = arith.constant 0 : index
    %get3A_0 = arith.constant 0 : index
    %get3A_1 = arith.constant 0 : index
    %get3A_2 = arith.constant 0 : index
    %get3A_3 = vector.load %arg2[%get3A, %get3A_0, %get3A_1, %get3A_2] : memref<1x512x16x128xf32, #tpu.memory_space<vmem>>, vector<1x512x16x128xf32>
    %get3A_4 = vector.shape_cast %get3A_3 : vector<1x512x16x128xf32> to vector<512x16x128xf32>
    %slice3A = vector.extract_strided_slice %get3A_4 {offsets = [0, 0, 0], sizes = [512, 16, 64], strides = [1, 1, 1]} : vector<512x16x128xf32> to vector<512x16x64xf32>
    %reshape3A = vector.shape_cast %slice3A : vector<512x16x64xf32> to vector<8192x64xf32>
    %get3A_5 = arith.constant 0 : index
    %get3A_6 = arith.constant 0 : index
    %get3A_7 = vector.load %arg3[%get3A_5, %get3A_6] : memref<8192x1xf32, #tpu.memory_space<vmem>>, vector<8192x1xf32>
    %convert_element_type3A = arith.truncf %reshape3A : vector<8192x64xf32> to vector<8192x64xbf16>
    %get3A_8 = arith.constant 0 : index
    %get3A_9 = arith.constant 0 : index
    %get3A_10 = vector.load %arg8[%get3A_8, %get3A_9] : memref<64x64xf32, #tpu.memory_space<vmem>>, vector<64x64xf32>
    %convert_element_type3A_11 = arith.truncf %get3A_10 : vector<64x64xf32> to vector<64x64xbf16>
    %dot_general3A = arith.constant dense<0.000000e+00> : vector<8192x64xf32>
    %dot_general3A_12 = tpu.matmul %convert_element_type3A, %convert_element_type3A_11, %dot_general3A {dimension_numbers = #tpu.dot_dimension_numbers<[1], [0], [0], [1], [0, 0, 1, 1], [], []>, transpose_lhs_hint = false} : vector<8192x64xbf16>, vector<64x64xbf16>, vector<8192x64xf32> -> vector<8192x64xf32>
    %convert_element_type3A_13 = arith.truncf %get3A_7 : vector<8192x1xf32> to vector<8192x1xbf16>
    %convert_element_type3A_14 = arith.extf %convert_element_type3A_13 : vector<8192x1xbf16> to vector<8192x1xf32>
    %get3A_15 = arith.constant 0 : index
    %get3A_16 = arith.constant 0 : index
    %get3A_17 = vector.load %arg9[%get3A_15, %get3A_16] : memref<1x64xf32, #tpu.memory_space<vmem>>, vector<1x64xf32>
    %convert_element_type3A_18 = arith.truncf %get3A_17 : vector<1x64xf32> to vector<1x64xbf16>
    %convert_element_type3A_19 = arith.extf %convert_element_type3A_18 : vector<1x64xbf16> to vector<1x64xf32>
    %mul3A = vector.broadcast %convert_element_type3A_14 : vector<8192x1xf32> to vector<8192x64xf32>
    %mul3A_20 = vector.broadcast %convert_element_type3A_19 : vector<1x64xf32> to vector<8192x64xf32>
    %mul3A_21 = arith.mulf %mul3A, %mul3A_20 : vector<8192x64xf32>
    %add3A = arith.addf %dot_general3A_12, %mul3A_21 : vector<8192x64xf32>
    %get3A_22 = arith.constant 0 : index
    %get3A_23 = arith.constant 0 : index
    %get3A_24 = vector.load %arg10[%get3A_22, %get3A_23] : memref<1x64xf32, #tpu.memory_space<vmem>>, vector<1x64xf32>
    %add3A_25 = vector.broadcast %get3A_24 : vector<1x64xf32> to vector<8192x64xf32>
    %add3A_26 = arith.addf %add3A, %add3A_25 : vector<8192x64xf32>
    %get3A_27 = arith.constant 0 : index
    %get3A_28 = arith.constant 0 : index
    %get3A_29 = vector.load %arg4[%get3A_27, %get3A_28] : memref<1x64xf32, #tpu.memory_space<vmem>>, vector<1x64xf32>
    %mul3A_30 = vector.broadcast %get3A_29 : vector<1x64xf32> to vector<8192x64xf32>
    %mul3A_31 = arith.mulf %add3A_26, %mul3A_30 : vector<8192x64xf32>
    %get3A_32 = arith.constant 0 : index
    %get3A_33 = arith.constant 0 : index
    %get3A_34 = vector.load %arg5[%get3A_32, %get3A_33] : memref<1x64xf32, #tpu.memory_space<vmem>>, vector<1x64xf32>
    %add3A_35 = vector.broadcast %get3A_34 : vector<1x64xf32> to vector<8192x64xf32>
    %add3A_36 = arith.addf %mul3A_31, %add3A_35 : vector<8192x64xf32>
    %ge3A = arith.constant 0.000000e+00 : f32
    %ge3A_37 = vector.broadcast %ge3A : f32 to vector<8192x64xf32>
    %ge3A_38 = arith.cmpf oge, %add3A_36, %ge3A_37 : vector<8192x64xf32>
    %mul3A_39 = arith.constant 2.000000e-01 : f32
    %mul3A_40 = vector.broadcast %mul3A_39 : f32 to vector<8192x64xf32>
    %mul3A_41 = arith.mulf %mul3A_40, %add3A_36 : vector<8192x64xf32>
    %select_n3A = arith.select %ge3A_38, %add3A_36, %mul3A_41 : vector<8192x64xi1>, vector<8192x64xf32>
    %convert_element_type3A_42 = arith.truncf %select_n3A : vector<8192x64xf32> to vector<8192x64xbf16>
    %get3A_43 = arith.constant 0 : index
    %get3A_44 = arith.constant 0 : index
    %get3A_45 = vector.load %arg11[%get3A_43, %get3A_44] : memref<64x64xf32, #tpu.memory_space<vmem>>, vector<64x64xf32>
    %convert_element_type3A_46 = arith.truncf %get3A_45 : vector<64x64xf32> to vector<64x64xbf16>
    %dot_general3A_47 = arith.constant dense<0.000000e+00> : vector<8192x64xf32>
    %dot_general3A_48 = tpu.matmul %convert_element_type3A_42, %convert_element_type3A_46, %dot_general3A_47 {dimension_numbers = #tpu.dot_dimension_numbers<[1], [0], [0], [1], [0, 0, 1, 1], [], []>, transpose_lhs_hint = false} : vector<8192x64xbf16>, vector<64x64xbf16>, vector<8192x64xf32> -> vector<8192x64xf32>
    %get3A_49 = arith.constant 0 : index
    %get3A_50 = arith.constant 0 : index
    %get3A_51 = vector.load %arg12[%get3A_49, %get3A_50] : memref<1x64xf32, #tpu.memory_space<vmem>>, vector<1x64xf32>
    %add3A_52 = vector.broadcast %get3A_51 : vector<1x64xf32> to vector<8192x64xf32>
    %add3A_53 = arith.addf %dot_general3A_48, %add3A_52 : vector<8192x64xf32>
    %get3A_54 = arith.constant 0 : index
    %get3A_55 = arith.constant 0 : index
    %get3A_56 = vector.load %arg6[%get3A_54, %get3A_55] : memref<1x64xf32, #tpu.memory_space<vmem>>, vector<1x64xf32>
    %mul3A_57 = vector.broadcast %get3A_56 : vector<1x64xf32> to vector<8192x64xf32>
    %mul3A_58 = arith.mulf %add3A_53, %mul3A_57 : vector<8192x64xf32>
    %get3A_59 = arith.constant 0 : index
    %get3A_60 = arith.constant 0 : index
    %get3A_61 = vector.load %arg7[%get3A_59, %get3A_60] : memref<1x64xf32, #tpu.memory_space<vmem>>, vector<1x64xf32>
    %add3A_62 = vector.broadcast %get3A_61 : vector<1x64xf32> to vector<8192x64xf32>
    %add3A_63 = arith.addf %mul3A_58, %add3A_62 : vector<8192x64xf32>
    %ge3A_64 = arith.constant 0.000000e+00 : f32
    %ge3A_65 = vector.broadcast %ge3A_64 : f32 to vector<8192x64xf32>
    %ge3A_66 = arith.cmpf oge, %add3A_63, %ge3A_65 : vector<8192x64xf32>
    %mul3A_67 = arith.constant 2.000000e-01 : f32
    %mul3A_68 = vector.broadcast %mul3A_67 : f32 to vector<8192x64xf32>
    %mul3A_69 = arith.mulf %mul3A_68, %add3A_63 : vector<8192x64xf32>
    %select_n3A_70 = arith.select %ge3A_66, %add3A_63, %mul3A_69 : vector<8192x64xi1>, vector<8192x64xf32>
    %reshape3A_71 = vector.shape_cast %select_n3A : vector<8192x64xf32> to vector<512x16x64xf32>
    %reduce_sum3A = arith.constant dense<0.000000e+00> : vector<512x64xf32>
    %reduce_sum3A_72 = vector.multi_reduction <add>, %reshape3A_71, %reduce_sum3A [1] : vector<512x16x64xf32> to vector<512x64xf32>
    %reshape3A_73 = vector.shape_cast %select_n3A_70 : vector<8192x64xf32> to vector<512x16x64xf32>
    %reduce_sum3A_74 = arith.constant dense<0.000000e+00> : vector<512x64xf32>
    %reduce_sum3A_75 = vector.multi_reduction <add>, %reshape3A_73, %reduce_sum3A_74 [1] : vector<512x16x64xf32> to vector<512x64xf32>
    %concatenate3A = tpu.concatenate %reduce_sum3A_72, %reduce_sum3A_75 in 1 : vector<512x64xf32>, vector<512x64xf32> -> vector<512x128xf32>
    %swap3A = arith.constant 0 : index
    %swap3A_76 = arith.constant 0 : index
    %swap3A_77 = arith.constant 0 : index
    %swap3A_78 = vector.load %arg15[%swap3A, %swap3A_76, %swap3A_77] : memref<1x512x128xf32, #tpu.memory_space<vmem>>, vector<1x512x128xf32>
    %swap3A_79 = vector.shape_cast %swap3A_78 : vector<1x512x128xf32> to vector<512x128xf32>
    %swap3A_80 = vector.shape_cast %concatenate3A : vector<512x128xf32> to vector<1x512x128xf32>
    tpu.vector_store %arg15[%swap3A, %swap3A_76, %swap3A_77], %swap3A_80 {strides = array<i32>} : memref<1x512x128xf32, #tpu.memory_space<vmem>>, vector<1x512x128xf32>,
    %convert_element_type3A_81 = arith.truncf %concatenate3A : vector<512x128xf32> to vector<512x128xbf16>
    %get3A_82 = arith.constant 0 : index
    %get3A_83 = arith.constant 0 : index
    %get3A_84 = vector.load %arg13[%get3A_82, %get3A_83] : memref<128x64xf32, #tpu.memory_space<vmem>>, vector<128x64xf32>
    %convert_element_type3A_85 = arith.truncf %get3A_84 : vector<128x64xf32> to vector<128x64xbf16>
    %dot_general3A_86 = arith.constant dense<0.000000e+00> : vector<512x64xf32>
    %dot_general3A_87 = tpu.matmul %convert_element_type3A_81, %convert_element_type3A_85, %dot_general3A_86 {dimension_numbers = #tpu.dot_dimension_numbers<[1], [0], [0], [1], [0, 0, 1, 1], [], []>, transpose_lhs_hint = false} : vector<512x128xbf16>, vector<128x64xbf16>, vector<512x64xf32> -> vector<512x64xf32>
    %get3A_88 = arith.constant 0 : index
    %get3A_89 = arith.constant 0 : index
    %get3A_90 = vector.load %arg14[%get3A_88, %get3A_89] : memref<1x64xf32, #tpu.memory_space<vmem>>, vector<1x64xf32>
    %add3A_91 = vector.broadcast %get3A_90 : vector<1x64xf32> to vector<512x64xf32>
    %add3A_92 = arith.addf %dot_general3A_87, %add3A_91 : vector<512x64xf32>
    %eq3A = arith.constant 0 : i32
    %eq3A_93 = arith.cmpi eq, %arg0, %eq3A : i32
    %eq3A_94 = arith.constant 0 : i32
    %eq3A_95 = arith.cmpi eq, %arg1, %eq3A_94 : i32
    %and3A = arith.andi %eq3A_93, %eq3A_95 : i1
    %convert_element_type3A_96 = arith.extui %and3A : i1 to i32
    %cond3A = arith.constant 0 : i32
    %cond3A_97 = arith.cmpi ne, %convert_element_type3A_96, %cond3A : i32
    scf.if %cond3A_97 {
      %broadcast_in_dim3A_118 = arith.constant 0.000000e+00 : f32
      %broadcast_in_dim3A_119 = vector.broadcast %broadcast_in_dim3A_118 : f32 to vector<1x64xf32>
      %swap3A_120 = arith.constant 0 : index
      %swap3A_121 = arith.constant 0 : index
      %swap3A_122 = vector.load %arg16[%swap3A_120, %swap3A_121] : memref<1x64xf32, #tpu.memory_space<vmem>>, vector<1x64xf32>
      tpu.vector_store %arg16[%swap3A_120, %swap3A_121], %broadcast_in_dim3A_119 {strides = array<i32>} : memref<1x64xf32, #tpu.memory_space<vmem>>, vector<1x64xf32>,
      %broadcast_in_dim3A_123 = arith.constant 0.000000e+00 : f32
      %broadcast_in_dim3A_124 = vector.broadcast %broadcast_in_dim3A_123 : f32 to vector<1x64xf32>
      %swap3A_125 = arith.constant 0 : index
      %swap3A_126 = arith.constant 0 : index
      %swap3A_127 = vector.load %arg17[%swap3A_125, %swap3A_126] : memref<1x64xf32, #tpu.memory_space<vmem>>, vector<1x64xf32>
      tpu.vector_store %arg17[%swap3A_125, %swap3A_126], %broadcast_in_dim3A_124 {strides = array<i32>} : memref<1x64xf32, #tpu.memory_space<vmem>>, vector<1x64xf32>,
    } else {
    }
    %get3A_98 = arith.constant 0 : index
    %get3A_99 = arith.constant 0 : index
    %get3A_100 = vector.load %arg16[%get3A_98, %get3A_99] : memref<1x64xf32, #tpu.memory_space<vmem>>, vector<1x64xf32>
    %reduce_sum3A_101 = arith.constant dense<0.000000e+00> : vector<64xf32>
    %reduce_sum3A_102 = vector.multi_reduction <add>, %add3A_92, %reduce_sum3A_101 [0] : vector<512x64xf32> to vector<64xf32>
    %broadcast_in_dim3A = vector.shape_cast %reduce_sum3A_102 : vector<64xf32> to vector<1x64xf32>
    %add3A_103 = arith.addf %get3A_100, %broadcast_in_dim3A : vector<1x64xf32>
    %swap3A_104 = arith.constant 0 : index
    %swap3A_105 = arith.constant 0 : index
    %swap3A_106 = vector.load %arg16[%swap3A_104, %swap3A_105] : memref<1x64xf32, #tpu.memory_space<vmem>>, vector<1x64xf32>
    tpu.vector_store %arg16[%swap3A_104, %swap3A_105], %add3A_103 {strides = array<i32>} : memref<1x64xf32, #tpu.memory_space<vmem>>, vector<1x64xf32>,
    %get3A_107 = arith.constant 0 : index
    %get3A_108 = arith.constant 0 : index
    %get3A_109 = vector.load %arg17[%get3A_107, %get3A_108] : memref<1x64xf32, #tpu.memory_space<vmem>>, vector<1x64xf32>
    %mul3A_110 = arith.mulf %add3A_92, %add3A_92 : vector<512x64xf32>
    %reduce_sum3A_111 = arith.constant dense<0.000000e+00> : vector<64xf32>
    %reduce_sum3A_112 = vector.multi_reduction <add>, %mul3A_110, %reduce_sum3A_111 [0] : vector<512x64xf32> to vector<64xf32>
    %broadcast_in_dim3A_113 = vector.shape_cast %reduce_sum3A_112 : vector<64xf32> to vector<1x64xf32>
    %add3A_114 = arith.addf %get3A_109, %broadcast_in_dim3A_113 : vector<1x64xf32>
    %swap3A_115 = arith.constant 0 : index
    %swap3A_116 = arith.constant 0 : index
    %swap3A_117 = vector.load %arg17[%swap3A_115, %swap3A_116] : memref<1x64xf32, #tpu.memory_space<vmem>>, vector<1x64xf32>
    tpu.vector_store %arg17[%swap3A_115, %swap3A_116], %add3A_114 {strides = array<i32>} : memref<1x64xf32, #tpu.memory_space<vmem>>, vector<1x64xf32>,
    return
  }
  func.func @transform_0(%arg0: i32, %arg1: i32) -> (i32, i32, i32, i32) {
    %c0_i32 = arith.constant 0 : i32
    %c0_i32_0 = arith.constant 0 : i32
    %c0_i32_1 = arith.constant 0 : i32
    return %arg0, %arg1, %c0_i32, %c0_i32_0 : i32, i32, i32, i32
  }
  func.func @transform_1(%arg0: i32, %arg1: i32) -> (i32, i32) {
    %mul3A = arith.constant 16 : i32
    %mul3A_0 = arith.muli %arg0, %mul3A : i32
    %add3A = arith.addi %mul3A_0, %arg1 : i32
    %c0_i32 = arith.constant 0 : i32
    %c0_i32_1 = arith.constant 0 : i32
    return %add3A, %c0_i32 : i32, i32
  }
  func.func @transform_2(%arg0: i32, %arg1: i32) -> (i32, i32) {
    %c0_i32 = arith.constant 0 : i32
    %c0_i32_0 = arith.constant 0 : i32
    %c0_i32_1 = arith.constant 0 : i32
    return %c0_i32, %c0_i32_0 : i32, i32
  }
  func.func @transform_3(%arg0: i32, %arg1: i32) -> (i32, i32) {
    %c0_i32 = arith.constant 0 : i32
    %c0_i32_0 = arith.constant 0 : i32
    %c0_i32_1 = arith.constant 0 : i32
    return %c0_i32, %c0_i32_0 : i32, i32
  }
  func.func @transform_4(%arg0: i32, %arg1: i32) -> (i32, i32) {
    %c0_i32 = arith.constant 0 : i32
    %c0_i32_0 = arith.constant 0 : i32
    %c0_i32_1 = arith.constant 0 : i32
    return %c0_i32, %c0_i32_0 : i32, i32
  }
  func.func @transform_5(%arg0: i32, %arg1: i32) -> (i32, i32) {
    %c0_i32 = arith.constant 0 : i32
    %c0_i32_0 = arith.constant 0 : i32
    %c0_i32_1 = arith.constant 0 : i32
    return %c0_i32, %c0_i32_0 : i32, i32
  }
  func.func @transform_6(%arg0: i32, %arg1: i32) -> (i32, i32) {
    %c0_i32 = arith.constant 0 : i32
    %c0_i32_0 = arith.constant 0 : i32
    %c0_i32_1 = arith.constant 0 : i32
    return %c0_i32, %c0_i32_0 : i32, i32
  }
  func.func @transform_7(%arg0: i32, %arg1: i32) -> (i32, i32) {
    %c0_i32 = arith.constant 0 : i32
    %c0_i32_0 = arith.constant 0 : i32
    %c0_i32_1 = arith.constant 0 : i32
    return %c0_i32, %c0_i32_0 : i32, i32
  }
  func.func @transform_8(%arg0: i32, %arg1: i32) -> (i32, i32) {
    %c0_i32 = arith.constant 0 : i32
    %c0_i32_0 = arith.constant 0 : i32
    %c0_i32_1 = arith.constant 0 : i32
    return %c0_i32, %c0_i32_0 : i32, i32
  }
  func.func @transform_9(%arg0: i32, %arg1: i32) -> (i32, i32) {
    %c0_i32 = arith.constant 0 : i32
    %c0_i32_0 = arith.constant 0 : i32
    %c0_i32_1 = arith.constant 0 : i32
    return %c0_i32, %c0_i32_0 : i32, i32
  }
  func.func @transform_10(%arg0: i32, %arg1: i32) -> (i32, i32) {
    %c0_i32 = arith.constant 0 : i32
    %c0_i32_0 = arith.constant 0 : i32
    %c0_i32_1 = arith.constant 0 : i32
    return %c0_i32, %c0_i32_0 : i32, i32
  }
  func.func @transform_11(%arg0: i32, %arg1: i32) -> (i32, i32) {
    %c0_i32 = arith.constant 0 : i32
    %c0_i32_0 = arith.constant 0 : i32
    %c0_i32_1 = arith.constant 0 : i32
    return %c0_i32, %c0_i32_0 : i32, i32
  }
  func.func @transform_12(%arg0: i32, %arg1: i32) -> (i32, i32) {
    %c0_i32 = arith.constant 0 : i32
    %c0_i32_0 = arith.constant 0 : i32
    %c0_i32_1 = arith.constant 0 : i32
    return %c0_i32, %c0_i32_0 : i32, i32
  }
  func.func @transform_13(%arg0: i32, %arg1: i32) -> (i32, i32, i32) {
    %c0_i32 = arith.constant 0 : i32
    %c0_i32_0 = arith.constant 0 : i32
    return %arg0, %arg1, %c0_i32 : i32, i32, i32
  }
  func.func @transform_14(%arg0: i32, %arg1: i32) -> (i32, i32) {
    %c0_i32 = arith.constant 0 : i32
    %c0_i32_0 = arith.constant 0 : i32
    %c0_i32_1 = arith.constant 0 : i32
    return %c0_i32, %c0_i32_0 : i32, i32
  }
  func.func @transform_15(%arg0: i32, %arg1: i32) -> (i32, i32) {
    %c0_i32 = arith.constant 0 : i32
    %c0_i32_0 = arith.constant 0 : i32
    %c0_i32_1 = arith.constant 0 : i32
    return %c0_i32, %c0_i32_0 : i32, i32
  }
}

module attributes {stable_mosaic.version = 14 : i64} {
  func.func @_mstats_body(%arg0: memref<1x64xf32, #tpu.memory_space<vmem>>, %arg1: memref<1x64xf32, #tpu.memory_space<vmem>>, %arg2: memref<1x64xf32, #tpu.memory_space<vmem>>, %arg3: memref<1x64xf32, #tpu.memory_space<vmem>>, %arg4: memref<1x64xf32, #tpu.memory_space<vmem>>, %arg5: memref<1x64xf32, #tpu.memory_space<vmem>>) attributes {dimension_semantics = [], scalar_prefetch = 0 : i64, scratch_operands = 0 : i64, tpu.core_type = #tpu.core_type<tc>} {
    %get3A = arith.constant 0 : index
    %get3A_0 = arith.constant 0 : index
    %get3A_1 = vector.load %arg0[%get3A, %get3A_0] : memref<1x64xf32, #tpu.memory_space<vmem>>, vector<1x64xf32>
    %div3A = arith.constant 3.276800e+04 : f32
    %div3A_2 = vector.broadcast %div3A : f32 to vector<1x64xf32>
    %div3A_3 = arith.divf %get3A_1, %div3A_2 : vector<1x64xf32>
    %get3A_4 = arith.constant 0 : index
    %get3A_5 = arith.constant 0 : index
    %get3A_6 = vector.load %arg1[%get3A_4, %get3A_5] : memref<1x64xf32, #tpu.memory_space<vmem>>, vector<1x64xf32>
    %div3A_7 = arith.constant 3.276800e+04 : f32
    %div3A_8 = vector.broadcast %div3A_7 : f32 to vector<1x64xf32>
    %div3A_9 = arith.divf %get3A_6, %div3A_8 : vector<1x64xf32>
    %mul3A = arith.mulf %div3A_3, %div3A_3 : vector<1x64xf32>
    %sub3A = arith.subf %div3A_9, %mul3A : vector<1x64xf32>
    %get3A_10 = arith.constant 0 : index
    %get3A_11 = arith.constant 0 : index
    %get3A_12 = vector.load %arg2[%get3A_10, %get3A_11] : memref<1x64xf32, #tpu.memory_space<vmem>>, vector<1x64xf32>
    %add3A = arith.constant 9.99999974E-6 : f32
    %add3A_13 = vector.broadcast %add3A : f32 to vector<1x64xf32>
    %add3A_14 = arith.addf %sub3A, %add3A_13 : vector<1x64xf32>
    %rsqrt3A = math.rsqrt %add3A_14 : vector<1x64xf32>
    %mul3A_15 = arith.mulf %get3A_12, %rsqrt3A : vector<1x64xf32>
    %swap3A = arith.constant 0 : index
    %swap3A_16 = arith.constant 0 : index
    %swap3A_17 = vector.load %arg4[%swap3A, %swap3A_16] : memref<1x64xf32, #tpu.memory_space<vmem>>, vector<1x64xf32>
    tpu.vector_store %arg4[%swap3A, %swap3A_16], %mul3A_15 {strides = array<i32>} : memref<1x64xf32, #tpu.memory_space<vmem>>, vector<1x64xf32>,
    %get3A_18 = arith.constant 0 : index
    %get3A_19 = arith.constant 0 : index
    %get3A_20 = vector.load %arg3[%get3A_18, %get3A_19] : memref<1x64xf32, #tpu.memory_space<vmem>>, vector<1x64xf32>
    %mul3A_21 = arith.mulf %mul3A_15, %div3A_3 : vector<1x64xf32>
    %sub3A_22 = arith.subf %get3A_20, %mul3A_21 : vector<1x64xf32>
    %swap3A_23 = arith.constant 0 : index
    %swap3A_24 = arith.constant 0 : index
    %swap3A_25 = vector.load %arg5[%swap3A_23, %swap3A_24] : memref<1x64xf32, #tpu.memory_space<vmem>>, vector<1x64xf32>
    tpu.vector_store %arg5[%swap3A_23, %swap3A_24], %sub3A_22 {strides = array<i32>} : memref<1x64xf32, #tpu.memory_space<vmem>>, vector<1x64xf32>,
    return
  }
}

module attributes {stable_mosaic.version = 14 : i64} {
  func.func @_k6_body(%arg0: i32, %arg1: i32, %arg2: memref<1x512x128xf32, #tpu.memory_space<vmem>>, %arg3: memref<128x64xf32, #tpu.memory_space<vmem>>, %arg4: memref<1x64xf32, #tpu.memory_space<vmem>>, %arg5: memref<1x64xf32, #tpu.memory_space<vmem>>, %arg6: memref<1x64xf32, #tpu.memory_space<vmem>>, %arg7: memref<1x64x512xf32, #tpu.memory_space<vmem>>) attributes {dimension_semantics = [#tpu.dimension_semantics<arbitrary>, #tpu.dimension_semantics<arbitrary>], iteration_bounds = array<i64: 4, 16>, scalar_prefetch = 0 : i64, scratch_operands = 0 : i64, tpu.core_type = #tpu.core_type<tc>, window_params = [{transform_indices = @transform_0, window_bounds = array<i64: 1, 512, 128>}, {pipeline_mode = #tpu.pipeline_mode<synchronous>, transform_indices = @transform_1, window_bounds = array<i64: 128, 64>}, {pipeline_mode = #tpu.pipeline_mode<synchronous>, transform_indices = @transform_2, window_bounds = array<i64: 1, 64>}, {pipeline_mode = #tpu.pipeline_mode<synchronous>, transform_indices = @transform_3, window_bounds = array<i64: 1, 64>}, {pipeline_mode = #tpu.pipeline_mode<synchronous>, transform_indices = @transform_4, window_bounds = array<i64: 1, 64>}, {transform_indices = @transform_5, window_bounds = array<i64: 1, 64, 512>}]} {
    %get3A = arith.constant 0 : index
    %get3A_0 = arith.constant 0 : index
    %get3A_1 = arith.constant 0 : index
    %get3A_2 = vector.load %arg2[%get3A, %get3A_0, %get3A_1] : memref<1x512x128xf32, #tpu.memory_space<vmem>>, vector<1x512x128xf32>
    %get3A_3 = vector.shape_cast %get3A_2 : vector<1x512x128xf32> to vector<512x128xf32>
    %convert_element_type3A = arith.truncf %get3A_3 : vector<512x128xf32> to vector<512x128xbf16>
    %get3A_4 = arith.constant 0 : index
    %get3A_5 = arith.constant 0 : index
    %get3A_6 = vector.load %arg3[%get3A_4, %get3A_5] : memref<128x64xf32, #tpu.memory_space<vmem>>, vector<128x64xf32>
    %convert_element_type3A_7 = arith.truncf %get3A_6 : vector<128x64xf32> to vector<128x64xbf16>
    %dot_general3A = arith.constant dense<0.000000e+00> : vector<512x64xf32>
    %dot_general3A_8 = tpu.matmul %convert_element_type3A, %convert_element_type3A_7, %dot_general3A {dimension_numbers = #tpu.dot_dimension_numbers<[1], [0], [0], [1], [0, 0, 1, 1], [], []>, transpose_lhs_hint = false} : vector<512x128xbf16>, vector<128x64xbf16>, vector<512x64xf32> -> vector<512x64xf32>
    %get3A_9 = arith.constant 0 : index
    %get3A_10 = arith.constant 0 : index
    %get3A_11 = vector.load %arg4[%get3A_9, %get3A_10] : memref<1x64xf32, #tpu.memory_space<vmem>>, vector<1x64xf32>
    %add3A = vector.broadcast %get3A_11 : vector<1x64xf32> to vector<512x64xf32>
    %add3A_12 = arith.addf %dot_general3A_8, %add3A : vector<512x64xf32>
    %get3A_13 = arith.constant 0 : index
    %get3A_14 = arith.constant 0 : index
    %get3A_15 = vector.load %arg5[%get3A_13, %get3A_14] : memref<1x64xf32, #tpu.memory_space<vmem>>, vector<1x64xf32>
    %mul3A = vector.broadcast %get3A_15 : vector<1x64xf32> to vector<512x64xf32>
    %mul3A_16 = arith.mulf %add3A_12, %mul3A : vector<512x64xf32>
    %get3A_17 = arith.constant 0 : index
    %get3A_18 = arith.constant 0 : index
    %get3A_19 = vector.load %arg6[%get3A_17, %get3A_18] : memref<1x64xf32, #tpu.memory_space<vmem>>, vector<1x64xf32>
    %add3A_20 = vector.broadcast %get3A_19 : vector<1x64xf32> to vector<512x64xf32>
    %add3A_21 = arith.addf %mul3A_16, %add3A_20 : vector<512x64xf32>
    %ge3A = arith.constant 0.000000e+00 : f32
    %ge3A_22 = vector.broadcast %ge3A : f32 to vector<512x64xf32>
    %ge3A_23 = arith.cmpf oge, %add3A_21, %ge3A_22 : vector<512x64xf32>
    %mul3A_24 = arith.constant 2.000000e-01 : f32
    %mul3A_25 = vector.broadcast %mul3A_24 : f32 to vector<512x64xf32>
    %mul3A_26 = arith.mulf %mul3A_25, %add3A_21 : vector<512x64xf32>
    %select_n3A = arith.select %ge3A_23, %add3A_21, %mul3A_26 : vector<512x64xi1>, vector<512x64xf32>
    %transpose3A = tpu.transpose %select_n3A, [1, 0] : vector<512x64xf32> -> vector<64x512xf32>
    %swap3A = arith.constant 0 : index
    %swap3A_27 = arith.constant 0 : index
    %swap3A_28 = arith.constant 0 : index
    %swap3A_29 = vector.load %arg7[%swap3A, %swap3A_27, %swap3A_28] : memref<1x64x512xf32, #tpu.memory_space<vmem>>, vector<1x64x512xf32>
    %swap3A_30 = vector.shape_cast %swap3A_29 : vector<1x64x512xf32> to vector<64x512xf32>
    %swap3A_31 = vector.shape_cast %transpose3A : vector<64x512xf32> to vector<1x64x512xf32>
    tpu.vector_store %arg7[%swap3A, %swap3A_27, %swap3A_28], %swap3A_31 {strides = array<i32>} : memref<1x64x512xf32, #tpu.memory_space<vmem>>, vector<1x64x512xf32>,
    return
  }
  func.func @transform_0(%arg0: i32, %arg1: i32) -> (i32, i32, i32) {
    %c0_i32 = arith.constant 0 : i32
    %c0_i32_0 = arith.constant 0 : i32
    return %arg0, %arg1, %c0_i32 : i32, i32, i32
  }
  func.func @transform_1(%arg0: i32, %arg1: i32) -> (i32, i32) {
    %c0_i32 = arith.constant 0 : i32
    %c0_i32_0 = arith.constant 0 : i32
    %c0_i32_1 = arith.constant 0 : i32
    return %c0_i32, %c0_i32_0 : i32, i32
  }
  func.func @transform_2(%arg0: i32, %arg1: i32) -> (i32, i32) {
    %c0_i32 = arith.constant 0 : i32
    %c0_i32_0 = arith.constant 0 : i32
    %c0_i32_1 = arith.constant 0 : i32
    return %c0_i32, %c0_i32_0 : i32, i32
  }
  func.func @transform_3(%arg0: i32, %arg1: i32) -> (i32, i32) {
    %c0_i32 = arith.constant 0 : i32
    %c0_i32_0 = arith.constant 0 : i32
    %c0_i32_1 = arith.constant 0 : i32
    return %c0_i32, %c0_i32_0 : i32, i32
  }
  func.func @transform_4(%arg0: i32, %arg1: i32) -> (i32, i32) {
    %c0_i32 = arith.constant 0 : i32
    %c0_i32_0 = arith.constant 0 : i32
    %c0_i32_1 = arith.constant 0 : i32
    return %c0_i32, %c0_i32_0 : i32, i32
  }
  func.func @transform_5(%arg0: i32, %arg1: i32) -> (i32, i32, i32) {
    %c0_i32 = arith.constant 0 : i32
    %c0_i32_0 = arith.constant 0 : i32
    return %arg0, %c0_i32, %arg1 : i32, i32, i32
  }
}

</mosaic_0001>

<sc_bundles>
// kernel: kernel.11.cloned.1.call-start
scs
__scs_entry_jumppad:
0x0: {  	(pc) =	sbr.rel $0x88, $3  }
0x1: {  	(tag) =	ssettag $0x0;
	lr =	simm.s32 $0x1  }
0x2: {  	[smem:$0x3F92] =	sst lr;
	_ =	strace $0xD0000000  }
0x3: {  	_ = 	snop  }
0x4: {  	_ = 	snop  }
0x5: {  	_ = 	snop  }
0x6: {  	_ = 	snop  }
0x7: {  	_ = 	snop  }
__scs_overlays_trampoline_lowered:
0x8: {  	[smem:$0x3FA1] =	sst s0  }
0x9: {  	[smem:$0x3FA2] =	sst s1  }
0xa: {  	[smem:$0x3FA3] =	sst s2  }
0xb: {  	[smem:$0x3FA4] =	sst s3  }
0xc: {  	[smem:$0x3FA5] =	sst s4  }
0xd: {  	[smem:$0x3FA6] =	sst s5  }
0xe: {  	[smem:$0x3FA7] =	sst s6  }
0xf: {  	[smem:$0x3FA8] =	sst s7  }
0x10: {  	[smem:$0x3FA9] =	sst s8  }
0x11: {  	[smem:$0x3FAA] =	sst s9;
	s0 =	simm.s32 @!p0 $0x0  }
0x12: {  	s1 =	sld [smem:$0x3F90];
	s0 =	simm.s32 @p0 $0x1  }
0x13: {  	[smem:$0x3FAB] =	sst s0;
	s0 =	simm.s32 @!p1 $0x0  }
0x14: {  	s2 =	sld [smem:$0x3F8F];
	s0 =	simm.s32 @p1 $0x1  }
0x15: {  	[smem:$0x3FAC] =	sst s0;
	s0 =	simm.s32 @!p2 $0x0  }
0x16: {  	s3 =	sld [smem:$0x3FDB];
	s0 =	simm.s32 @p2 $0x1  }
0x17: {  	s4 =	simm.s32 $0x1BF5;
	[smem:$0x3FAE] =	sst s0  }
0x18: {  	s0 =	sld [smem:$0x3F91];
	_ =	swait.ge [sflag:s4], $0x0  }
0x19: {  	s7 =	sld [smem:$0x3F92]  }
0x1a: {  	s8 =	sadd.s32 $0xFFFFE003, lr  }
0x1b: {  	s9 =	sadd.s32 $0xFFFFFEF7, lr;
	s5 =	simm.s32 $0xFFFFFFFF;
	p2 =	slt.u32 s8, $0xFFFFF086  }
0x1c: {  	p1 =	slt.u32 s9, $0xF7A;
	s5 =	simm.s32 @!p2 $0x0  }
0x1d: {  	s5 =	simm.s32 @p1 $0x1;
	p0 =	seq.s32 s7, s2  }
0x1e: {  	s7 =	smul.u32 @!p0 $0xF7A, s2;
	p2 =	seq.s32 @!p0 s5, $0x0  }
0x1f: {  	s9 =	smul.u32 $0xF7A, s1;
	s8 =	simm.s32 @!p0 $0x1BF5;
	p2 =	por !p2, p0  }
0x20: {  	[sflag:s8] =	ssyncset.s32 @!p0 $0xFFFFF086;
	s6 =	sadd.s32 @!p0 s3, s7;
	s7 =	simm.s32 @!p0 $0x108  }
0x21: {  	s3 =	sadd.s32 s3, s9;
	s6 =	sadd.s32 @!p0 $0x88, s6;
	s7 =	simm.s32 @p2 $0x1082  }
0x22: {  	[simem:s7], [sflag:s8] =	dma.local @!p0 [hbm:s6], $0xF7A  }
0x23: {  	s9 =	sor.u32 $0xD0000000, s2;
	s6 =	simm.s32 $0x108;
	_ =	swait.ge @!p0 [sflag:s8], $0x0  }
0x24: {  	s3 =	sadd.s32 $0x88, s3;
	s6 =	simm.s32 @!p1 $0x1082;
	[sflag:s4] =	ssyncset.s32 $0xFFFFF086  }
0x25: {  	[simem:s6], [sflag:s4] =	dma.local [hbm:s3], $0xF7A  }
0x26: {  	[smem:$0x3F92] =	sst s1;
	(tag) =	ssettag s2;
	_ =	strace s9  }
0x27: {  	s1 =	sld [smem:$0x3FA2]  }
0x28: {  	s2 =	sld [smem:$0x3FA3]  }
0x29: {  	s4 =	sld [smem:$0x3FA5]  }
0x2a: {  	p0 =	seq.s32 s5, $0x0;
	s5 =	sld [smem:$0x3FA6]  }
0x2b: {  	s6 =	sld [smem:$0x3FA7]  }
0x2c: {  	s7 =	sld [smem:$0x3FA8]  }
0x2d: {  	s3 =	simm.s32 $0x108;
	s8 =	sld [smem:$0x3FA9]  }
0x2e: {  	s3 =	simm.s32 @!p0 $0x1082;
	s9 =	sld [smem:$0x3FAA]  }
0x2f: {  	lr =	sadd.s32 s0, s3;
	s0 =	sld [smem:$0x3FA1]  }
0x30: {  	s3 =	sld [smem:$0x3FA4]  }
0x31: {  	[smem:$0x3FAD] =	sst s10  }
0x32: {  	s10 =	sld [smem:$0x3FAB];
	_ =	sdelay $0x3  }
0x33: {  	p0 =	seq.s32 s10, $0x1;
	s10 =	sld [smem:$0x3FAD];
	_ =	sdelay $0x3  }
0x34: {  	[smem:$0x3FAD] =	sst s10  }
0x35: {  	s10 =	sld [smem:$0x3FAC];
	_ =	sdelay $0x3  }
0x36: {  	p1 =	seq.s32 s10, $0x1;
	s10 =	sld [smem:$0x3FAD];
	_ =	sdelay $0x3  }
0x37: {  	[smem:$0x3FAD] =	sst s10  }
0x38: {  	s10 =	sld [smem:$0x3FAE]  }
0x39: {  	_ = 	snop;
	(pc) =	sbr.ind lr, $3  }
0x3a: {  	_ = 	snop  }
0x3b: {  	_ = 	snop  }
0x3c: {  	p2 =	seq.s32 s10, $0x1;
	s10 =	sld [smem:$0x3FAD]  }
0x3d: {  	_ =	shalt  }
0x3e: {  	_ =	shalt  }
0x3f: {  	_ =	shalt  }
0x40: {  	_ =	shalt  }
0x41: {  	_ =	shalt  }
0x42: {  	_ =	shalt  }
0x43: {  	_ =	shalt  }
0x44: {  	_ =	shalt  }
0x45: {  	_ =	shalt  }
0x46: {  	_ =	shalt  }
0x47: {  	_ =	shalt  }
0x48: {  	_ =	shalt  }
0x49: {  	_ =	shalt  }
0x4a: {  	_ =	shalt  }
0x4b: {  	_ =	shalt  }
0x4c: {  	_ =	shalt  }
0x4d: {  	_ =	shalt  }
0x4e: {  	_ =	shalt  }
0x4f: {  	_ =	shalt  }
0x50: {  	_ =	shalt  }
0x51: {  	_ =	shalt  }
0x52: {  	_ =	shalt  }
0x53: {  	_ =	shalt  }
0x54: {  	_ =	shalt  }
0x55: {  	_ =	shalt  }
0x56: {  	_ =	shalt  }
0x57: {  	_ =	shalt  }
0x58: {  	_ =	shalt  }
0x59: {  	_ =	shalt  }
0x5a: {  	_ =	shalt  }
0x5b: {  	_ =	shalt  }
0x5c: {  	_ =	shalt  }
0x5d: {  	_ =	shalt  }
0x5e: {  	_ =	shalt  }
0x5f: {  	_ =	shalt  }
0x60: {  	_ =	shalt  }
0x61: {  	_ =	shalt  }
0x62: {  	_ =	shalt  }
0x63: {  	_ =	shalt  }
0x64: {  	_ =	shalt  }
0x65: {  	_ =	shalt  }
0x66: {  	_ =	shalt  }
0x67: {  	_ =	shalt  }
0x68: {  	_ =	shalt  }
0x69: {  	_ =	shalt  }
0x6a: {  	_ =	shalt  }
0x6b: {  	_ =	shalt  }
0x6c: {  	_ =	shalt  }
0x6d: {  	_ =	shalt  }
0x6e: {  	_ =	shalt  }
0x6f: {  	_ =	shalt  }
0x70: {  	_ =	shalt  }
0x71: {  	_ =	shalt  }
0x72: {  	_ =	shalt  }
0x73: {  	_ =	shalt  }
0x74: {  	_ =	shalt  }
0x75: {  	_ =	shalt  }
0x76: {  	_ =	shalt  }
0x77: {  	_ =	shalt  }
0x78: {  	_ =	shalt  }
0x79: {  	_ =	shalt  }
0x7a: {  	_ =	shalt  }
0x7b: {  	_ =	shalt  }
0x7c: {  	_ =	shalt  }
0x7d: {  	_ =	shalt  }
0x7e: {  	_ =	shalt  }
0x7f: {  	_ =	shalt  }
0x80: {  	_ =	shalt  }
0x81: {  	_ =	shalt  }
0x82: {  	_ =	shalt  }
0x83: {  	_ =	shalt  }
0x84: {  	_ =	shalt  }
0x85: {  	_ =	shalt  }
0x86: {  	_ =	shalt  }
0x87: {  	_ =	shalt  }
.Lfunc_end0:
.L_simem_size_0:
called_computation_lowered:
.L_overlay_start_0:
0x88: {  	s2 =	sld [smem:$0x3FD9]  }
0x89: {  	s3 =	sld [smem:$0x3FFE];
	_ =	sdelay $0x1  }
0x8a: {  	s1 =	srdreg.scid  }
0x8b: {  	s0 =	sand.u32 $0x1, s1  }
0x8c: {  	s17 =	sshll.u32 s0, $0xA;
	s2 =	sadd.s32 s3, s2  }
0x8d: {  	s2 =	sadd.s32 s2, s17  }
0x8e: {  	[smem:$0x3FB9] =	sst s2  }
0x8f: {  	_ = 	snop  }
0x90: {  	s2 =	sld [smem:$0x3FD0];
	(tm) =	ssettm $0x1  }
0x91: {  	s18 =	sld [smem:$0x3FFB];
	_ =	sdelay $0x3  }
0x92: {  	_ =	strace s18  }
0x93: {  	s3 =	sld [smem:$0x3FFC];
	_ =	sdelay $0x3  }
0x94: {  	_ =	strace s3  }
0x95: {  	s3 =	sld [smem:$0x3FFD];
	_ =	sdelay $0x3  }
0x96: {  	_ =	strace s3  }
0x97: {  	_ =	strace $0x8FFFFFFF  }
0x98: {  	s19 =	sld [smem:$0x3FDB];
	_ =	sdelay $0x1  }
0x99: {  	s4 =	simm.s32 $_scs_section_size  }
0x9a: {  	s5 =	simm.s32 $_size__tile_overlayer_lowered;
	s6 =	simm.s32 $_tile_overlayer_lowered  }
0x9b: {  	s22 =	simm.s32 $0x1BFF;
	s21 =	sshll.u32 s6, $0x1;
	s3 =	sadd.s32 s4, s19  }
0x9c: {  	s7 =	simm.s32 $0x0;
	s20 =	sshll.u32 s5, $0x1;
	s5 =	sadd.s32 s21, s3  }
0x9d: {  	[timem:s7], [sflag:s22] =	dma.local [hbm:s5], s20  }
0x9e: {  	_ =	swait.ge [sflag:s22], s20  }
0x9f: {  	s4 =	ssub.s32 $0x0, s20;
	[sflag:s22] =	ssyncset.done $0x0  }
0xa0: {  	[sflag:s22] =	ssyncadd.s32 s4;
	_ =	sdelay $0x1  }
0xa1: {  	s23 =	simm.s32 $0x1B8B  }
0xa2: {  	_ =	swait.ge [sflag:s23], $0x1  }
0xa3: {  	[sflag:s23] =	ssyncset.done $0x0  }
0xa4: {  	s25 =	simm.s32 $0x1B8E;
	s24 =	sld [smem:$0x3FFE];
	[sflag:s23] =	ssyncadd.s32 $0xFFFFFFFF  }
0xa5: {  	s26 =	simm.s32 $execute0_lowered;
	[smem:$0x3FD2] =	sst s25  }
0xa6: {  	s5 =	sshll.u32 s26, $0x1;
	_ =	strace $0x80000046;
	[dreg:$0x1] =	wrdreg $0xFFFFFFFF  }
0xa7: {  	s28 =	simm.s32 $_size_execute0_lowered;
	s3 =	sadd.s32 s3, s5;
	[dreg:$0x0] =	wrdreg $0x0  }
0xa8: {  	s5 =	sshll.u32 s28, $0x1;
	[dreg:$0x2] =	wrdreg s3  }
0xa9: {  	[dreg:$0x3] =	wrdreg s5  }
0xaa: {  	[dreg:$0x4] =	wrdreg $0xC0  }
0xab: {  	_ =	task [dreg:s7], $0x5FFFF  }
0xac: {  	[dreg:$0x1] =	wrdreg $0xFFFFFFFF  }
0xad: {  	[dreg:$0x0] =	wrdreg $0x60  }
0xae: {  	[dreg:$0x2] =	wrdreg s2  }
0xaf: {  	[dreg:$0x3] =	wrdreg s24  }
0xb0: {  	[dreg:$0x4] =	wrdreg $0x9  }
0xb1: {  	_ =	task.clear_ibuf [dreg:s7], $0x5FFFF;
	_ =	strace $0x90000046  }
0xb2: {  	s29 =	simm.s32 $0x9;
	_ =	strace $0x80000048  }
0xb3: {  	_ =	swait.ge [sflag:s29], $0x1  }
0xb4: {  	[sflag:s29] =	ssyncadd.s32 $0xFFFFFFFF  }
0xb5: {  	_ =	strace $0x90000048  }
0xb6: {  	_ =	sfence  }
0xb7: {  	s30 =	sld [smem:$0x0];
	_ =	sdelay $0x2  }
0xb8: {  	s31 =	sshll.u32 s1, $0xD;
	s1 =	sshrl.u32 s1, $0x2  }
0xb9: {  	s3 =	sand.u32 $0x4000, s31;
	s1 =	sadd.s32 s1, s30  }
0xba: {  	s0 =	sor.u32 s3, s0;
	s1 =	sshll.u32 s1, $0x11  }
0xbb: {  	s0 =	sor.u32 s1, s0  }
0xbc: {  	s0 =	sadd.s32 $0x8F2B, s0  }
0xbd: {  	[sflag:s0] =	ssyncadd.remote.s32 $0x1  }
0xbe: {  	_ =	sfence.sel $0xFFFF  }
0xbf: {  	[dreg:$0x0] =	wrdreg $0xFFFFFFFF;
	(pc) =	sbr.abs _section_cstart, $3  }
0xc0: {  	[dreg:$0x1] =	wrdreg $0xFFFFFFFF  }
0xc1: {  	_ =	task.clear_ibuf [dreg:s7], $0x2FFFF;
	_ =	strace $0x9FFFFFFF  }
0xc2: {  	(tm) =	ssettm $0x7FFFFFFF  }
0xc3: {  	_ =	shalt  }
tec
execute0_lowered:
.L_overlay_start_1:
0x0: {  	(tag) =	ssettag $0x1  }
0x1: {  	s1 =	rddreg [dreg:$0x0]  }
0x2: {  	s4 =	rddreg [dreg:$0x1]  }
0x3: {  	s0 =	rddreg [dreg:$0x2]  }
0x4: {  	s3 =	simm.s32 $0x0;
	s5 =	srdreg.scid;
	s2 =	stileid.u32  }
0x5: {  	s12 =	simm.s32 $0x1;
	s13 =	simm.s32 $0x2;
	s14 =	simm.s32 $0x3  }
0x6: {  	s15 =	simm.s32 $0x4;
	s16 =	simm.s32 $0x0;
	[smem:$0x7FF] =	sst s3  }
0x7: {  	s5 =	sand.u32 $0x1, s5;
	s7 =	sadd.s32 $0x3000, s4;
	s6 =	sshll.u32 s2, $0x13  }
0x8: {  	s10 =	sshll.u32 s2, $0xF;
	_ =	strace $0x80000047;
	s8 =	ssub.s32 $0x2, s5  }
0x9: {  	s11 =	sshll.u32 s5, $0xE;
	s6 =	sadd.s32 s6, s4;
	s5 =	sshll.u32 s5, $0x12  }
0xa: {  	s9 =	sshrl.u32 s8, $0x1;
	s28 =	sor.u32 s11, s10;
	s5 =	sadd.s32 s5, s6  }
0xb: {  	s10 =	simm.s32 $0x200;
	s11 =	simm.s32 $0x8200;
	s26 =	ssub.s32 s8, s9  }
0xc: {  	s29 =	sor.u32 $0x100, s28;
	s30 =	sshrl.u32 s28, $0x3;
	s5 =	sadd.s32 $0x103000, s5  }
0xd: {  	s8 =	simm.s32 $0x5;
	s9 =	simm.s32 $0x100;
	s31 =	sshrl.u32 s29, $0x3  }
0xe: {  	s4 =	smax.u32 s26, $0x1;
	s6 =	sadd.s32 s30, s7;
	s7 =	sadd.s32 s31, s7  }
.LBB2_1:
0xf: {  	s17 =	sadd.s32 $0x0, s6  }
0x10: {  	[tilespmem:s3], [sflag:$0x5] =	stream.linear.gather [hbm4b:s17+s3], $0x100, $0x38;
	[tilespmem:$0x10200] =	vst v63  }
0x11: {  	_ =	swait.ge [sflag:s8], $0x100  }
0x12: {  	[sflag:s8] =	ssyncset.done $0x0  }
0x13: {  	[sflag:s8] =	ssyncadd.s32 $0xFFFFFF00  }
0x14: {  	[tilespmem:s10], [sflag:$0x1] =	stream.indirect.gather [hbm4b:s1+s9], $0x80, s3, s9, $0xb8;
	[tilespmem:$0x10200] =	vst v63  }
0x15: {  	s30 =	sadd.s32 $0x0, s7  }
0x16: {  	[tilespmem:s9], [sflag:$0x5] =	stream.linear.gather [hbm4b:s30+s3], $0x100, $0x38;
	[tilespmem:$0x10200] =	vst v63  }
0x17: {  	_ =	swait.ge [sflag:s8], $0x100  }
0x18: {  	[sflag:s8] =	ssyncset.done $0x0  }
0x19: {  	[sflag:s8] =	ssyncadd.s32 $0xFFFFFF00  }
0x1a: {  	[tilespmem:s11], [sflag:$0x2] =	stream.indirect.gather [hbm4b:s1+s9], $0x80, s9, s9, $0xb8;
	[tilespmem:$0x10200] =	vst v63  }
0x1b: {  	_ =	swait.ge [sflag:s12], $0x8000  }
0x1c: {  	[sflag:s12] =	ssyncset.done $0x0  }
0x1d: {  	[sflag:s12] =	ssyncadd.s32 $0xFFFF8000  }
0x1e: {  	[hbm4b:s5+s3] =	stream.linear.scatter [tilespmem:s10], [sflag:$0x3], $0x8000, $0x38;
	[tilespmem:$0x10200] =	vst v63  }
0x1f: {  	_ =	swait.ge [sflag:s13], $0x8000  }
0x20: {  	[sflag:s13] =	ssyncset.done $0x0  }
0x21: {  	s31 =	sadd.s32 $0x1000, s5;
	[sflag:s13] =	ssyncadd.s32 $0xFFFF8000  }
0x22: {  	[hbm4b:s31+s3] =	stream.linear.scatter [tilespmem:s11], [sflag:$0x4], $0x8000, $0x38;
	[tilespmem:$0x10200] =	vst v63  }
0x23: {  	_ =	swait.ge [sflag:s14], $0x8000  }
0x24: {  	[sflag:s14] =	ssyncset.done $0x0  }
0x25: {  	[sflag:s14] =	ssyncadd.s32 $0xFFFF8000  }
0x26: {  	s18 =	simm.s32 $0x40;
	_ =	swait.ge [sflag:s15], $0x8000  }
0x27: {  	s19 =	simm.s32 $0x80;
	s17 =	sadd.s32 $0x2000, s5;
	[sflag:s15] =	ssyncset.done $0x0  }
.LBB2_2:
0x28: {  	s20 =	sadd.s32 s18, s6  }
0x29: {  	[sflag:s15] =	ssyncadd.s32 $0xFFFF8000;
	s21 =	smov.u32 s19;
	s22 =	sadd.s32 $0x40, s19  }
0x2a: {  	[tilespmem:s3], [sflag:$0x5] =	stream.linear.gather [hbm4b:s20+s3], $0x100, $0x38;
	[tilespmem:$0x10200] =	vst v63  }
0x2b: {  	p0 =	sne.s32 s19, $0x7C0;
	_ =	swait.ge [sflag:s8], $0x100  }
0x2c: {  	[sflag:s8] =	ssyncset.done $0x0  }
0x2d: {  	[sflag:s8] =	ssyncadd.s32 $0xFFFFFF00  }
0x2e: {  	[tilespmem:s10], [sflag:$0x1] =	stream.indirect.gather [hbm4b:s1+s9], $0x80, s3, s9, $0xb8;
	[tilespmem:$0x10200] =	vst v63  }
0x2f: {  	s19 =	sadd.s32 s18, s7;
	s18 =	smov.u32 s21  }
0x30: {  	[tilespmem:s9], [sflag:$0x5] =	stream.linear.gather [hbm4b:s19+s3], $0x100, $0x38;
	[tilespmem:$0x10200] =	vst v63  }
0x31: {  	_ =	swait.ge [sflag:s8], $0x100  }
0x32: {  	[sflag:s8] =	ssyncset.done $0x0  }
0x33: {  	[sflag:s8] =	ssyncadd.s32 $0xFFFFFF00  }
0x34: {  	[tilespmem:s11], [sflag:$0x2] =	stream.indirect.gather [hbm4b:s1+s9], $0x80, s9, s9, $0xb8;
	[tilespmem:$0x10200] =	vst v63  }
0x35: {  	_ =	swait.ge [sflag:s12], $0x8000  }
0x36: {  	[sflag:s12] =	ssyncset.done $0x0  }
0x37: {  	[sflag:s12] =	ssyncadd.s32 $0xFFFF8000  }
0x38: {  	[hbm4b:s17+s3] =	stream.linear.scatter [tilespmem:s10], [sflag:$0x3], $0x8000, $0x38;
	[tilespmem:$0x10200] =	vst v63  }
0x39: {  	_ =	swait.ge [sflag:s13], $0x8000  }
0x3a: {  	[sflag:s13] =	ssyncset.done $0x0  }
0x3b: {  	s19 =	sadd.s32 $0x1000, s17;
	[sflag:s13] =	ssyncadd.s32 $0xFFFF8000  }
0x3c: {  	[hbm4b:s19+s3] =	stream.linear.scatter [tilespmem:s11], [sflag:$0x4], $0x8000, $0x38;
	[tilespmem:$0x10200] =	vst v63  }
.Ltmp0:
0x3d: {  	_ =	swait.ge [sflag:s14], $0x8000;
	(pc) =	sbr.rel @p0 .LBB2_2-.Ltmp0, $4  }
0x3e: {  	[sflag:s14] =	ssyncset.done $0x0  }
0x3f: {  	[sflag:s14] =	ssyncadd.s32 $0xFFFF8000  }
0x40: {  	_ =	swait.ge [sflag:s15], $0x8000  }
0x41: {  	s17 =	sadd.s32 $0x2000, s17;
	s19 =	smov.u32 s22;
	[sflag:s15] =	ssyncset.done $0x0  }
0x42: {  	s19 =	sadd.s32 s18, s6;
	[sflag:s15] =	ssyncadd.s32 $0xFFFF8000  }
0x43: {  	[tilespmem:s3], [sflag:$0x5] =	stream.linear.gather [hbm4b:s19+s3], $0x100, $0x38;
	[tilespmem:$0x10200] =	vst v63  }
0x44: {  	_ =	swait.ge [sflag:s8], $0x100  }
0x45: {  	[sflag:s8] =	ssyncset.done $0x0  }
0x46: {  	[sflag:s8] =	ssyncadd.s32 $0xFFFFFF00  }
0x47: {  	[tilespmem:s10], [sflag:$0x1] =	stream.indirect.gather [hbm4b:s1+s9], $0x80, s3, s9, $0xb8;
	[tilespmem:$0x10200] =	vst v63  }
0x48: {  	s30 =	sadd.s32 s18, s7  }
0x49: {  	[tilespmem:s9], [sflag:$0x5] =	stream.linear.gather [hbm4b:s30+s3], $0x100, $0x38;
	[tilespmem:$0x10200] =	vst v63  }
0x4a: {  	_ =	swait.ge [sflag:s8], $0x100  }
0x4b: {  	[sflag:s8] =	ssyncset.done $0x0  }
0x4c: {  	[sflag:s8] =	ssyncadd.s32 $0xFFFFFF00  }
0x4d: {  	[tilespmem:s11], [sflag:$0x2] =	stream.indirect.gather [hbm4b:s1+s9], $0x80, s9, s9, $0xb8;
	[tilespmem:$0x10200] =	vst v63  }
0x4e: {  	_ =	swait.ge [sflag:s12], $0x8000  }
0x4f: {  	[sflag:s12] =	ssyncset.done $0x0  }
0x50: {  	[sflag:s12] =	ssyncadd.s32 $0xFFFF8000  }
0x51: {  	[hbm4b:s17+s3] =	stream.linear.scatter [tilespmem:s10], [sflag:$0x3], $0x8000, $0x38;
	[tilespmem:$0x10200] =	vst v63  }
0x52: {  	_ =	swait.ge [sflag:s13], $0x8000  }
0x53: {  	[sflag:s13] =	ssyncset.done $0x0  }
0x54: {  	s31 =	sadd.s32 $0x1000, s17;
	s16 =	sadd.s32 $0x1, s16;
	[sflag:s13] =	ssyncadd.s32 $0xFFFF8000  }
0x55: {  	[hbm4b:s31+s3] =	stream.linear.scatter [tilespmem:s11], [sflag:$0x4], $0x8000, $0x38;
	[tilespmem:$0x10200] =	vst v63  }
0x56: {  	p0 =	sne.s32 s16, s4;
	_ =	swait.ge [sflag:s14], $0x8000  }
.Ltmp1:
0x57: {  	[sflag:s14] =	ssyncset.done $0x0;
	(pc) =	sbr.rel @p0 .LBB2_1-.Ltmp1, $4  }
0x58: {  	[sflag:s14] =	ssyncadd.s32 $0xFFFF8000  }
0x59: {  	_ =	swait.ge [sflag:s15], $0x8000  }
0x5a: {  	[sflag:s15] =	ssyncset.done $0x0  }
0x5b: {  	[sflag:s15] =	ssyncadd.s32 $0xFFFF8000  }
0x5c: {  	_ =	sfence.sel $0x180000  }
0x5d: {  	[bflag:$0x0] =	sbarrier.arrive $0xFFFF  }
0x5e: {  	p0 =	sne.s32 s2, $0x0;
	_ =	strace $0x90000047  }
0x5f: {  	s0 =	sadd.s32 @!p0 $0x100000, s0;
	[bflag:$0x2] =	sbarrier.arrive $0xFFFF  }
0x60: {  	[sflag:s0] =	ssyncadd.tile.s32 @!p0 $0x1;
	_ =	shalt  }
.Lfunc_end2:
_tile_overlayer_lowered:
.L_overlay_start_2:
0x61: {  	(tag) =	ssettag $0x2  }
0x62: {  	s0 =	rddreg [dreg:$0x0];
	s2 =	stileid.u32  }
0x63: {  	s1 =	rddreg [dreg:$0x1];
	p0 =	sne.s32 s2, $0x0  }
0x64: {  	s3 =	rddreg [dreg:$0x2];
	[bflag:$0x3] =	sbarrier.arrive $0xFFFF;
	s2 =	simm.s32 @!p0 $0x1C05  }
0x65: {  	[timem:s3], [sflag:s2] =	dma.local @!p0 [hbm:s0], s1  }
0x66: {  	s0 =	simm.s32 @!p0 $0x5  }
0x67: {  	_ =	swait.ge @!p0 [sflag:s0], s1  }
0x68: {  	s1 =	ssub.s32 @!p0 $0x0, s1;
	[sflag:s0] =	ssyncset.done @!p0 $0x0  }
0x69: {  	[sflag:s0] =	ssyncadd.s32 @!p0 s1  }
0x6a: {  	[bflag:$0x3] =	sbarrier.arrive $0xFFFF  }
0x6b: {  	_ =	shalt  }

</sc_bundles>
